<compile_context>
chip_gen: v7x
topology: tpu7x:2x2x1
jax: 0.10.2.dev20260603
libtpu: 0.0.44.dev20260713+nightly
codegen_flags: <defaults>
</compile_context>

<pallas_src>
import functools

import jax
import jax.numpy as jnp
from jax import lax
from jax.experimental import pallas as pl
from jax.experimental.pallas import tpu as pltpu
from jax.experimental.pallas import tpu_sc as plsc

N = 10000
E = 320000
D = 128

_NC = 2
_NS = 16
_NW = _NC * _NS
_C = 128
_RPW = -(-E // (_NW * _C) // 8) * 8
_EROWS = _NW * _RPW
_EPAD = _EROWS * _C
_NPAD = N + _C
_NDEG = N + _C

_RB = 640
_RB_LAST = N - (_NS - 1) * _RB

_mesh = plsc.VectorSubcoreMesh(core_axis_name="c", subcore_axis_name="s")


def _stripe_copy(copy_fn, total=N):
    s = lax.axis_index("s")

    @pl.when(s < _NS - 1)
    def _():
        copy_fn(s * _RB, _RB)

    @pl.when(s == _NS - 1)
    def _():
        copy_fn((_NS - 1) * _RB, total - (_NS - 1) * _RB)


_DEG_SCRATCH = [
    pltpu.VMEM((_RPW, _C), jnp.int32),
    pltpu.VMEM((_C,), jnp.float32),
    pltpu.VMEM((_RB,), jnp.float32),
    pltpu.VMEM_SHARED((_NDEG,), jnp.float32),
    pltpu.SemaphoreType.DMA,
]


def _deg_body(dst_hbm, deg_out, dst_all, ones_v, stage_v, deg_sh, sem_i):
    c = lax.axis_index("c")
    s = lax.axis_index("s")
    wid = c * _NS + s
    idx_cp = pltpu.async_copy(dst_hbm.at[pl.ds(wid * _RPW, _RPW)], dst_all,
                              sem_i)
    for i in range(_C // 16):
        ones_v[pl.ds(i * 16, 16)] = jnp.full((16,), 1.0, jnp.float32)

    def zero_stage(k, carry):
        stage_v[pl.ds(k * 16, 16)] = jnp.zeros((16,), jnp.float32)
        return carry

    lax.fori_loop(0, _RB // 16, zero_stage, 0)
    _stripe_copy(lambda off, sz: pltpu.sync_copy(
        stage_v.at[pl.ds(0, sz)], deg_sh.at[pl.ds(off, sz)]), total=_NDEG)
    idx_cp.wait()
    plsc.subcore_barrier()

    def body(k, carry):
        pltpu.sync_copy(ones_v, deg_sh.at[dst_all.at[k]], add=True)
        return carry

    lax.fori_loop(0, _RPW, body, 0)
    plsc.subcore_barrier()

    def wb(off, sz):
        pltpu.sync_copy(deg_sh.at[pl.ds(off, sz)], stage_v.at[pl.ds(0, sz)])
        pltpu.sync_copy(stage_v.at[pl.ds(0, sz)],
                        deg_out.at[pl.ds(c * N + off, sz)])

    _stripe_copy(wb)


_HOP_SCRATCH = [
    pltpu.VMEM((_RPW, _C), jnp.int32),
    pltpu.VMEM((_C,), jnp.int32),
    pltpu.VMEM((_C,), jnp.int32),
    pltpu.VMEM((_C, D), jnp.float32),
    pltpu.VMEM((_C, D), jnp.float32),
    pltpu.VMEM_SHARED((_NPAD, D), jnp.float32),
    pltpu.SemaphoreType.DMA,
    pltpu.SemaphoreType.DMA,
    pltpu.SemaphoreType.DMA,
    pltpu.SemaphoreType.DMA,
    pltpu.SemaphoreType.DMA,
]


def _hop_body(x_hbm, src_hbm, dst_hbm, zeros_hbm, out_hbm, src_all, dst_a,
              dst_b, rows_a, rows_b, acc_sh, sem_a, sem_b, sem_da, sem_db,
              sem_i):
    c = lax.axis_index("c")
    s = lax.axis_index("s")
    wid = c * _NS + s
    base0 = wid * _RPW
    src_cp = pltpu.async_copy(src_hbm.at[pl.ds(base0, _RPW)], src_all, sem_i)
    _stripe_copy(lambda off, sz: pltpu.sync_copy(
        zeros_hbm.at[pl.ds(off, sz)], acc_sh.at[pl.ds(off, sz)]))
    src_cp.wait()
    plsc.subcore_barrier()

    def start_dst(k, dst_v, sem):
        pltpu.async_copy(dst_hbm.at[base0 + k], dst_v, sem)

    def wait_dst(dst_v, sem):
        pltpu.make_async_copy(dst_hbm.at[base0], dst_v, sem).wait()

    def start_gather(k, rows_v, sem):
        pltpu.async_copy(x_hbm.at[src_all.at[k]], rows_v, sem)

    def wait_gather(rows_v, sem):
        pltpu.make_async_copy(x_hbm.at[src_all.at[0]], rows_v, sem).wait()

    start_dst(0, dst_a, sem_da)
    start_gather(0, rows_a, sem_a)

    def body(j, carry):
        k1 = 2 * j + 1
        k2 = 2 * j + 2
        start_dst(k1, dst_b, sem_db)
        start_gather(k1, rows_b, sem_b)
        wait_gather(rows_a, sem_a)
        wait_dst(dst_a, sem_da)
        pltpu.sync_copy(rows_a, acc_sh.at[dst_a], add=True)

        @pl.when(k2 < _RPW)
        def _():
            start_dst(k2, dst_a, sem_da)
            start_gather(k2, rows_a, sem_a)

        wait_gather(rows_b, sem_b)
        wait_dst(dst_b, sem_db)
        pltpu.sync_copy(rows_b, acc_sh.at[dst_b], add=True)
        return carry

    lax.fori_loop(0, _RPW // 2, body, 0)
    plsc.subcore_barrier()
    _stripe_copy(lambda off, sz: pltpu.sync_copy(
        acc_sh.at[pl.ds(off, sz)], out_hbm.at[c, pl.ds(off, sz)]))


_deg_kernel = functools.partial(
    pl.kernel,
    out_type=jax.ShapeDtypeStruct((_NC * N,), jnp.float32),
    mesh=_mesh,
    scratch_types=_DEG_SCRATCH,
)(_deg_body)

_hop_kernel = functools.partial(
    pl.kernel,
    out_type=jax.ShapeDtypeStruct((_NC, N, D), jnp.float32),
    mesh=_mesh,
    scratch_types=_HOP_SCRATCH,
)(_hop_body)



_RROWS = 2000


def _prescale_body(deg_ref, feat_ref, o_ref):
    deg = jnp.maximum(deg_ref[0] + deg_ref[1], 1.0)
    o_ref[...] = feat_ref[...] * lax.rsqrt(deg)


def _combine_body(recip, deg_ref, p_ref, o_ref):
    deg = jnp.maximum(deg_ref[0] + deg_ref[1], 1.0)
    scale = jnp.where(recip, 1.0 / deg, lax.rsqrt(deg))
    o_ref[...] = (p_ref[0] + p_ref[1]) * scale


def _prescale(deg2, feat):
    return pl.pallas_call(
        _prescale_body,
        grid=(N // _RROWS,),
        in_specs=[
            pl.BlockSpec((_NC, _RROWS, 1), lambda i: (0, i, 0)),
            pl.BlockSpec((_RROWS, D), lambda i: (i, 0)),
        ],
        out_specs=pl.BlockSpec((_RROWS, D), lambda i: (i, 0)),
        out_shape=jax.ShapeDtypeStruct((N, D), jnp.float32),
    )(deg2, feat)


def _combine(deg2, parts, recip):
    return pl.pallas_call(
        functools.partial(_combine_body, recip),
        grid=(N // _RROWS,),
        in_specs=[
            pl.BlockSpec((_NC, _RROWS, 1), lambda i: (0, i, 0)),
            pl.BlockSpec((_NC, _RROWS, D), lambda i: (0, i, 0)),
        ],
        out_specs=pl.BlockSpec((_RROWS, D), lambda i: (i, 0)),
        out_shape=jax.ShapeDtypeStruct((N, D), jnp.float32),
    )(deg2, parts)


def kernel(feat, edge_index):
    src = edge_index[0]
    dst = edge_index[1]
    pad = _EPAD - E
    src2d = jnp.concatenate(
        [src, (jnp.arange(pad, dtype=jnp.int32) * 73) % N]).reshape(
            _EROWS, _C)
    dst2d = jnp.concatenate(
        [dst, N + (jnp.arange(pad, dtype=jnp.int32) % _C)]).reshape(
            _EROWS, _C)
    zeros_nd = jnp.zeros((N, D), jnp.float32)

    deg_part = _deg_kernel(dst2d)
    deg2 = deg_part.reshape(_NC, N, 1)

    x0 = _prescale(deg2, feat)
    p1 = _hop_kernel(x0, src2d, dst2d, zeros_nd)
    x1 = _combine(deg2, p1, recip=True)
    p2 = _hop_kernel(x1, src2d, dst2d, zeros_nd)
    return _combine(deg2, p2, recip=False)

# --- scband reference (transcript-rebuilt; emitter-appended) ---
"""Pipeline reference for scband-sgc-agg-2877628089020 (READ-ONLY COPY).

The authoritative reference and input builder live on the scoring server;
editing this copy changes nothing except your own understanding.
"""

import jax, jax.numpy as jnp
import numpy as np

N_NODES = 10000
N_EDGES = 320000
D_FEAT = 128
K_HOPS = 2


def setup_inputs(seed: int = 0) -> dict:
    key = jax.random.key(seed)
    k1, k2 = jax.random.split(key)
    feat = jax.random.normal(k1, (N_NODES, D_FEAT), dtype=jnp.float32)
    edge_index = jax.random.randint(k2, (2, N_EDGES), 0, N_NODES, dtype=jnp.int32)
    return {"feat": feat, "edge_index": edge_index}


def reference(feat, edge_index):
    # SGC aggregation: k rounds of D^{-1/2} A D^{-1/2} feat
    src = edge_index[0]
    dst = edge_index[1]
    # in-degrees (messages arrive at dst)
    deg = jax.ops.segment_sum(jnp.ones((edge_index.shape[1],), dtype=jnp.float32), dst, num_segments=N_NODES)
    deg = jnp.clip(deg, 1.0, None)
    norm = jnp.power(deg, -0.5)[:, None]
    h = feat
    for _ in range(K_HOPS):
        h = h * norm
        # copy_u + sum reduce: gather from src nodes, scatter-add to dst nodes
        h = jax.ops.segment_sum(h[src], dst, num_segments=N_NODES)
        h = h * norm
    return h

if __name__ == "__main__":
    import jax
    _d = setup_inputs()
    print(jax.jit(kernel)(*tuple(_d.values())))

</pallas_src>

<mosaic_0001>
#map = affine_map<(d0, d1) -> (0, 0)>
#map1 = affine_map<(d0, d1) -> (0)>
module attributes {stable_mosaic.version = 14 : i64} {
  func.func @_deg_body(%arg0: i32, %arg1: i32, %arg2: memref<2560x128xi32, #tpu.memory_space<hbm>>, %arg3: memref<20000xf32, #tpu.memory_space<hbm>>, %arg4: memref<80x128xi32, #tpu.memory_space<vmem>>, %arg5: memref<128xf32, #tpu.memory_space<vmem>>, %arg6: memref<640xf32, #tpu.memory_space<vmem>>, %arg7: memref<10128xf32, #tpu.memory_space<vmem_shared>>, %arg8: memref<!tpu.dma_semaphore, #tpu.memory_space<semaphore_mem>>) attributes {dimension_semantics = [#tpu.dimension_semantics<core_parallel>, #tpu.dimension_semantics<subcore_parallel>], iteration_bounds = array<i64: 2, 16>, scalar_prefetch = 0 : i64, scratch_operands = 5 : i64, tpu.core_type = #tpu.core_type<sc_vector_subcore>, window_params = [{transform_indices = #map}, {transform_indices = #map1}]} {
    %mul3A = arith.constant 16 : i32
    %mul3A_0 = arith.muli %arg0, %mul3A : i32
    %add3A = arith.addi %mul3A_0, %arg1 : i32
    %mul3A_1 = arith.constant 80 : i32
    %mul3A_2 = arith.muli %add3A, %mul3A_1 : i32
    %dma_start3A = arith.constant 0 : i32
    %dma_start3A_3 = tpu.memref_slice %arg2[%mul3A_2, %dma_start3A] : memref<2560x128xi32, #tpu.memory_space<hbm>> -> memref<80x128xi32, #tpu.memory_space<hbm>>
    %dma_start3A_4 = arith.constant 0 : i32
    %dma_start3A_5 = tpu.memref_slice %arg2[%mul3A_2, %dma_start3A_4] : memref<2560x128xi32, #tpu.memory_space<hbm>> -> memref<80x128xi32, #tpu.memory_space<hbm>>
    tpu.enqueue_dma source(%dma_start3A_5 : memref<80x128xi32, #tpu.memory_space<hbm>>) target(%arg4 : memref<80x128xi32, #tpu.memory_space<vmem>>) target_semaphore(%arg8 : memref<!tpu.dma_semaphore, #tpu.memory_space<semaphore_mem>>)
    %broadcast_in_dim3A = arith.constant 1.000000e+00 : f32
    %broadcast_in_dim3A_6 = vector.broadcast %broadcast_in_dim3A : f32 to vector<16xf32>
    %swap3A = arith.constant 0 : index
    %swap3A_7 = tpu.vector_load %arg5[%swap3A] {strides = array<i32>} : memref<128xf32, #tpu.memory_space<vmem>>, vector<16xf32>,
    %swap3A_8 = vector.shape_cast %swap3A_7 : vector<16xf32> to vector<16xf32>
    %swap3A_9 = vector.shape_cast %broadcast_in_dim3A_6 : vector<16xf32> to vector<16xf32>
    tpu.vector_store %arg5[%swap3A], %swap3A_9 {strides = array<i32>} : memref<128xf32, #tpu.memory_space<vmem>>, vector<16xf32>,
    %broadcast_in_dim3A_10 = arith.constant 1.000000e+00 : f32
    %broadcast_in_dim3A_11 = vector.broadcast %broadcast_in_dim3A_10 : f32 to vector<16xf32>
    %swap3A_12 = arith.constant 16 : index
    %swap3A_13 = tpu.vector_load %arg5[%swap3A_12] {strides = array<i32>} : memref<128xf32, #tpu.memory_space<vmem>>, vector<16xf32>,
    %swap3A_14 = vector.shape_cast %swap3A_13 : vector<16xf32> to vector<16xf32>
    %swap3A_15 = vector.shape_cast %broadcast_in_dim3A_11 : vector<16xf32> to vector<16xf32>
    tpu.vector_store %arg5[%swap3A_12], %swap3A_15 {strides = array<i32>} : memref<128xf32, #tpu.memory_space<vmem>>, vector<16xf32>,
    %broadcast_in_dim3A_16 = arith.constant 1.000000e+00 : f32
    %broadcast_in_dim3A_17 = vector.broadcast %broadcast_in_dim3A_16 : f32 to vector<16xf32>
    %swap3A_18 = arith.constant 32 : index
    %swap3A_19 = tpu.vector_load %arg5[%swap3A_18] {strides = array<i32>} : memref<128xf32, #tpu.memory_space<vmem>>, vector<16xf32>,
    %swap3A_20 = vector.shape_cast %swap3A_19 : vector<16xf32> to vector<16xf32>
    %swap3A_21 = vector.shape_cast %broadcast_in_dim3A_17 : vector<16xf32> to vector<16xf32>
    tpu.vector_store %arg5[%swap3A_18], %swap3A_21 {strides = array<i32>} : memref<128xf32, #tpu.memory_space<vmem>>, vector<16xf32>,
    %broadcast_in_dim3A_22 = arith.constant 1.000000e+00 : f32
    %broadcast_in_dim3A_23 = vector.broadcast %broadcast_in_dim3A_22 : f32 to vector<16xf32>
    %swap3A_24 = arith.constant 48 : index
    %swap3A_25 = tpu.vector_load %arg5[%swap3A_24] {strides = array<i32>} : memref<128xf32, #tpu.memory_space<vmem>>, vector<16xf32>,
    %swap3A_26 = vector.shape_cast %swap3A_25 : vector<16xf32> to vector<16xf32>
    %swap3A_27 = vector.shape_cast %broadcast_in_dim3A_23 : vector<16xf32> to vector<16xf32>
    tpu.vector_store %arg5[%swap3A_24], %swap3A_27 {strides = array<i32>} : memref<128xf32, #tpu.memory_space<vmem>>, vector<16xf32>,
    %broadcast_in_dim3A_28 = arith.constant 1.000000e+00 : f32
    %broadcast_in_dim3A_29 = vector.broadcast %broadcast_in_dim3A_28 : f32 to vector<16xf32>
    %swap3A_30 = arith.constant 64 : index
    %swap3A_31 = tpu.vector_load %arg5[%swap3A_30] {strides = array<i32>} : memref<128xf32, #tpu.memory_space<vmem>>, vector<16xf32>,
    %swap3A_32 = vector.shape_cast %swap3A_31 : vector<16xf32> to vector<16xf32>
    %swap3A_33 = vector.shape_cast %broadcast_in_dim3A_29 : vector<16xf32> to vector<16xf32>
    tpu.vector_store %arg5[%swap3A_30], %swap3A_33 {strides = array<i32>} : memref<128xf32, #tpu.memory_space<vmem>>, vector<16xf32>,
    %broadcast_in_dim3A_34 = arith.constant 1.000000e+00 : f32
    %broadcast_in_dim3A_35 = vector.broadcast %broadcast_in_dim3A_34 : f32 to vector<16xf32>
    %swap3A_36 = arith.constant 80 : index
    %swap3A_37 = tpu.vector_load %arg5[%swap3A_36] {strides = array<i32>} : memref<128xf32, #tpu.memory_space<vmem>>, vector<16xf32>,
    %swap3A_38 = vector.shape_cast %swap3A_37 : vector<16xf32> to vector<16xf32>
    %swap3A_39 = vector.shape_cast %broadcast_in_dim3A_35 : vector<16xf32> to vector<16xf32>
    tpu.vector_store %arg5[%swap3A_36], %swap3A_39 {strides = array<i32>} : memref<128xf32, #tpu.memory_space<vmem>>, vector<16xf32>,
    %broadcast_in_dim3A_40 = arith.constant 1.000000e+00 : f32
    %broadcast_in_dim3A_41 = vector.broadcast %broadcast_in_dim3A_40 : f32 to vector<16xf32>
    %swap3A_42 = arith.constant 96 : index
    %swap3A_43 = tpu.vector_load %arg5[%swap3A_42] {strides = array<i32>} : memref<128xf32, #tpu.memory_space<vmem>>, vector<16xf32>,
    %swap3A_44 = vector.shape_cast %swap3A_43 : vector<16xf32> to vector<16xf32>
    %swap3A_45 = vector.shape_cast %broadcast_in_dim3A_41 : vector<16xf32> to vector<16xf32>
    tpu.vector_store %arg5[%swap3A_42], %swap3A_45 {strides = array<i32>} : memref<128xf32, #tpu.memory_space<vmem>>, vector<16xf32>,
    %broadcast_in_dim3A_46 = arith.constant 1.000000e+00 : f32
    %broadcast_in_dim3A_47 = vector.broadcast %broadcast_in_dim3A_46 : f32 to vector<16xf32>
    %swap3A_48 = arith.constant 112 : index
    %swap3A_49 = tpu.vector_load %arg5[%swap3A_48] {strides = array<i32>} : memref<128xf32, #tpu.memory_space<vmem>>, vector<16xf32>,
    %swap3A_50 = vector.shape_cast %swap3A_49 : vector<16xf32> to vector<16xf32>
    %swap3A_51 = vector.shape_cast %broadcast_in_dim3A_47 : vector<16xf32> to vector<16xf32>
    tpu.vector_store %arg5[%swap3A_48], %swap3A_51 {strides = array<i32>} : memref<128xf32, #tpu.memory_space<vmem>>, vector<16xf32>,
    %scan3A = arith.constant 0 : i32
    %scan3A_52 = arith.constant 0 : i32
    %scan3A_53 = arith.constant 40 : i32
    %scan3A_54 = arith.addi %scan3A_52, %scan3A_53 : i32
    %scan3A_55 = arith.constant 1 : i32
    scf.for %scan3A_83 = %scan3A_52 to %scan3A_54 step %scan3A_55  : i32 {
      %broadcast_in_dim3A_84 = arith.constant 0.000000e+00 : f32
      %broadcast_in_dim3A_85 = vector.broadcast %broadcast_in_dim3A_84 : f32 to vector<16xf32>
      %mul3A_86 = arith.constant 16 : i32
      %mul3A_87 = arith.muli %scan3A_83, %mul3A_86 : i32
      %swap3A_88 = arith.index_cast %mul3A_87 : i32 to index
      %swap3A_89 = tpu.vector_load %arg6[%swap3A_88] {strides = array<i32>} : memref<640xf32, #tpu.memory_space<vmem>>, vector<16xf32>,
      %swap3A_90 = vector.shape_cast %swap3A_89 : vector<16xf32> to vector<16xf32>
      %swap3A_91 = vector.shape_cast %broadcast_in_dim3A_85 : vector<16xf32> to vector<16xf32>
      tpu.vector_store %arg6[%swap3A_88], %swap3A_91 {strides = array<i32>} : memref<640xf32, #tpu.memory_space<vmem>>, vector<16xf32>,
    }
    %scan3A_56 = arith.constant 40 : i32
    %lt3A = arith.constant 15 : i32
    %lt3A_57 = arith.cmpi slt, %arg1, %lt3A : i32
    %convert_element_type3A = arith.extui %lt3A_57 : i1 to i32
    %cond3A = arith.constant 0 : i32
    %cond3A_58 = arith.cmpi ne, %convert_element_type3A, %cond3A : i32
    scf.if %cond3A_58 {
      %mul3A_83 = arith.constant 640 : i32
      %mul3A_84 = arith.muli %arg1, %mul3A_83 : i32
      "tpu.region"() ({
        %run_scoped3A = tpu.sem_alloc : memref<!tpu.dma_semaphore, #tpu.memory_space<semaphore_mem>>
        %dma_start3A_85 = arith.constant 0 : i32
        %dma_start3A_86 = tpu.memref_slice %arg6[%dma_start3A_85] : memref<640xf32, #tpu.memory_space<vmem>> -> memref<640xf32, #tpu.memory_space<vmem>>
        %dma_start3A_87 = tpu.memref_slice %arg7[%mul3A_84] : memref<10128xf32, #tpu.memory_space<vmem_shared>> -> memref<640xf32, #tpu.memory_space<vmem_shared>>
        %dma_start3A_88 = tpu.memref_slice %arg7[%mul3A_84] : memref<10128xf32, #tpu.memory_space<vmem_shared>> -> memref<640xf32, #tpu.memory_space<vmem_shared>>
        %dma_start3A_89 = arith.constant 0 : i32
        %dma_start3A_90 = tpu.memref_slice %arg6[%dma_start3A_89] : memref<640xf32, #tpu.memory_space<vmem>> -> memref<640xf32, #tpu.memory_space<vmem>>
        tpu.enqueue_dma source(%dma_start3A_90 : memref<640xf32, #tpu.memory_space<vmem>>) target(%dma_start3A_88 : memref<640xf32, #tpu.memory_space<vmem_shared>>) target_semaphore(%run_scoped3A : memref<!tpu.dma_semaphore, #tpu.memory_space<semaphore_mem>>)
        %dma_wait3A_91 = arith.constant 0 : i32
        %dma_wait3A_92 = tpu.memref_slice %arg6[%dma_wait3A_91] : memref<640xf32, #tpu.memory_space<vmem>> -> memref<640xf32, #tpu.memory_space<vmem>>
        %dma_wait3A_93 = tpu.memref_slice %arg7[%mul3A_84] : memref<10128xf32, #tpu.memory_space<vmem_shared>> -> memref<640xf32, #tpu.memory_space<vmem_shared>>
        %dma_wait3A_94 = tpu.memref_slice %arg7[%mul3A_84] : memref<10128xf32, #tpu.memory_space<vmem_shared>> -> memref<640xf32, #tpu.memory_space<vmem_shared>>
        %dma_wait3A_95 = arith.constant 0 : i32
        %dma_wait3A_96 = tpu.memref_slice %arg6[%dma_wait3A_95] : memref<640xf32, #tpu.memory_space<vmem>> -> memref<640xf32, #tpu.memory_space<vmem>>
        tpu.wait_dma2 semaphore(%run_scoped3A : memref<!tpu.dma_semaphore, #tpu.memory_space<semaphore_mem>>) src(%dma_wait3A_96 : memref<640xf32, #tpu.memory_space<vmem>>) dst(%dma_wait3A_94 : memref<640xf32, #tpu.memory_space<vmem_shared>>)
        tpu.yield
      }) : () -> ()
    } else {
    }
    %eq3A = arith.constant 15 : i32
    %eq3A_59 = arith.cmpi eq, %arg1, %eq3A : i32
    %convert_element_type3A_60 = arith.extui %eq3A_59 : i1 to i32
    %cond3A_61 = arith.constant 0 : i32
    %cond3A_62 = arith.cmpi ne, %convert_element_type3A_60, %cond3A_61 : i32
    scf.if %cond3A_62 {
      "tpu.region"() ({
        %run_scoped3A = tpu.sem_alloc : memref<!tpu.dma_semaphore, #tpu.memory_space<semaphore_mem>>
        %dma_start3A_83 = arith.constant 0 : i32
        %dma_start3A_84 = tpu.memref_slice %arg6[%dma_start3A_83] : memref<640xf32, #tpu.memory_space<vmem>> -> memref<528xf32, #tpu.memory_space<vmem>>
        %dma_start3A_85 = arith.constant 9600 : i32
        %dma_start3A_86 = tpu.memref_slice %arg7[%dma_start3A_85] : memref<10128xf32, #tpu.memory_space<vmem_shared>> -> memref<528xf32, #tpu.memory_space<vmem_shared>>
        %dma_start3A_87 = arith.constant 9600 : i32
        %dma_start3A_88 = tpu.memref_slice %arg7[%dma_start3A_87] : memref<10128xf32, #tpu.memory_space<vmem_shared>> -> memref<528xf32, #tpu.memory_space<vmem_shared>>
        %dma_start3A_89 = arith.constant 0 : i32
        %dma_start3A_90 = tpu.memref_slice %arg6[%dma_start3A_89] : memref<640xf32, #tpu.memory_space<vmem>> -> memref<528xf32, #tpu.memory_space<vmem>>
        tpu.enqueue_dma source(%dma_start3A_90 : memref<528xf32, #tpu.memory_space<vmem>>) target(%dma_start3A_88 : memref<528xf32, #tpu.memory_space<vmem_shared>>) target_semaphore(%run_scoped3A : memref<!tpu.dma_semaphore, #tpu.memory_space<semaphore_mem>>)
        %dma_wait3A_91 = arith.constant 0 : i32
        %dma_wait3A_92 = tpu.memref_slice %arg6[%dma_wait3A_91] : memref<640xf32, #tpu.memory_space<vmem>> -> memref<528xf32, #tpu.memory_space<vmem>>
        %dma_wait3A_93 = arith.constant 9600 : i32
        %dma_wait3A_94 = tpu.memref_slice %arg7[%dma_wait3A_93] : memref<10128xf32, #tpu.memory_space<vmem_shared>> -> memref<528xf32, #tpu.memory_space<vmem_shared>>
        %dma_wait3A_95 = arith.constant 9600 : i32
        %dma_wait3A_96 = tpu.memref_slice %arg7[%dma_wait3A_95] : memref<10128xf32, #tpu.memory_space<vmem_shared>> -> memref<528xf32, #tpu.memory_space<vmem_shared>>
        %dma_wait3A_97 = arith.constant 0 : i32
        %dma_wait3A_98 = tpu.memref_slice %arg6[%dma_wait3A_97] : memref<640xf32, #tpu.memory_space<vmem>> -> memref<528xf32, #tpu.memory_space<vmem>>
        tpu.wait_dma2 semaphore(%run_scoped3A : memref<!tpu.dma_semaphore, #tpu.memory_space<semaphore_mem>>) src(%dma_wait3A_98 : memref<528xf32, #tpu.memory_space<vmem>>) dst(%dma_wait3A_96 : memref<528xf32, #tpu.memory_space<vmem_shared>>)
        tpu.yield
      }) : () -> ()
    } else {
    }
    %dma_wait3A = arith.constant 0 : i32
    %dma_wait3A_63 = tpu.memref_slice %arg2[%mul3A_2, %dma_wait3A] : memref<2560x128xi32, #tpu.memory_space<hbm>> -> memref<80x128xi32, #tpu.memory_space<hbm>>
    %dma_wait3A_64 = arith.constant 0 : i32
    %dma_wait3A_65 = tpu.memref_slice %arg2[%mul3A_2, %dma_wait3A_64] : memref<2560x128xi32, #tpu.memory_space<hbm>> -> memref<80x128xi32, #tpu.memory_space<hbm>>
    tpu.wait_dma2 semaphore(%arg8 : memref<!tpu.dma_semaphore, #tpu.memory_space<semaphore_mem>>) src(%dma_wait3A_65 : memref<80x128xi32, #tpu.memory_space<hbm>>) dst(%arg4 : memref<80x128xi32, #tpu.memory_space<vmem>>)
    %barrier3A = arith.constant 0 : index
    tpu.barrier barrier_id(%barrier3A)
    %scan3A_66 = arith.constant 0 : i32
    %scan3A_67 = arith.constant 0 : i32
    %scan3A_68 = arith.constant 80 : i32
    %scan3A_69 = arith.addi %scan3A_67, %scan3A_68 : i32
    %scan3A_70 = arith.constant 1 : i32
    scf.for %scan3A_83 = %scan3A_67 to %scan3A_69 step %scan3A_70  : i32 {
      "tpu.region"() ({
        %run_scoped3A = tpu.sem_alloc : memref<!tpu.dma_semaphore, #tpu.memory_space<semaphore_mem>>
        %dma_start3A_84 = arith.constant 0 : i32
        %dma_start3A_85 = tpu.memref_slice %arg4[%scan3A_83, %dma_start3A_84] : memref<80x128xi32, #tpu.memory_space<vmem>> -> memref<1x128xi32, #tpu.memory_space<vmem>>
        %dma_start3A_86 = tpu.memref_squeeze %dma_start3A_85 : memref<1x128xi32, #tpu.memory_space<vmem>> -> memref<128xi32, #tpu.memory_space<vmem>>
        %dma_start3A_87 = arith.constant 0 : i32
        %dma_start3A_88 = tpu.memref_slice %arg7[%dma_start3A_87] : memref<10128xf32, #tpu.memory_space<vmem_shared>> -> memref<10128xf32, #tpu.memory_space<vmem_shared>>
        tpu.enqueue_indirect_dma source(%arg5 : memref<128xf32, #tpu.memory_space<vmem>>) target(%dma_start3A_88 : memref<10128xf32, #tpu.memory_space<vmem_shared>>) offsets(%dma_start3A_86 : memref<128xi32, #tpu.memory_space<vmem>>) semaphore(%run_scoped3A : memref<!tpu.dma_semaphore, #tpu.memory_space<semaphore_mem>>) {add = true}
        %dma_wait3A_89 = arith.constant 0 : i32
        %dma_wait3A_90 = tpu.memref_slice %arg4[%scan3A_83, %dma_wait3A_89] : memref<80x128xi32, #tpu.memory_space<vmem>> -> memref<1x128xi32, #tpu.memory_space<vmem>>
        %dma_wait3A_91 = tpu.memref_squeeze %dma_wait3A_90 : memref<1x128xi32, #tpu.memory_space<vmem>> -> memref<128xi32, #tpu.memory_space<vmem>>
        %dma_wait3A_92 = arith.constant 0 : i32
        %dma_wait3A_93 = tpu.memref_slice %arg7[%dma_wait3A_92] : memref<10128xf32, #tpu.memory_space<vmem_shared>> -> memref<10128xf32, #tpu.memory_space<vmem_shared>>
        tpu.wait_indirect_dma semaphore(%run_scoped3A : memref<!tpu.dma_semaphore, #tpu.memory_space<semaphore_mem>>) src(%arg5 : memref<128xf32, #tpu.memory_space<vmem>>) dst(%dma_wait3A_93 : memref<10128xf32, #tpu.memory_space<vmem_shared>>)
        tpu.yield
      }) : () -> ()
    }
    %scan3A_71 = arith.constant 80 : i32
    %barrier3A_72 = arith.constant 0 : index
    tpu.barrier barrier_id(%barrier3A_72)
    %lt3A_73 = arith.constant 15 : i32
    %lt3A_74 = arith.cmpi slt, %arg1, %lt3A_73 : i32
    %convert_element_type3A_75 = arith.extui %lt3A_74 : i1 to i32
    %cond3A_76 = arith.constant 0 : i32
    %cond3A_77 = arith.cmpi ne, %convert_element_type3A_75, %cond3A_76 : i32
    scf.if %cond3A_77 {
      %mul3A_83 = arith.constant 640 : i32
      %mul3A_84 = arith.muli %arg1, %mul3A_83 : i32
      "tpu.region"() ({
        %run_scoped3A = tpu.sem_alloc : memref<!tpu.dma_semaphore, #tpu.memory_space<semaphore_mem>>
        %dma_start3A_88 = arith.constant 0 : i32
        %dma_start3A_89 = tpu.memref_slice %arg6[%dma_start3A_88] : memref<640xf32, #tpu.memory_space<vmem>> -> memref<640xf32, #tpu.memory_space<vmem>>
        %dma_start3A_90 = tpu.memref_slice %arg7[%mul3A_84] : memref<10128xf32, #tpu.memory_space<vmem_shared>> -> memref<640xf32, #tpu.memory_space<vmem_shared>>
        %dma_start3A_91 = arith.constant 0 : i32
        %dma_start3A_92 = tpu.memref_slice %arg6[%dma_start3A_91] : memref<640xf32, #tpu.memory_space<vmem>> -> memref<640xf32, #tpu.memory_space<vmem>>
        %dma_start3A_93 = tpu.memref_slice %arg7[%mul3A_84] : memref<10128xf32, #tpu.memory_space<vmem_shared>> -> memref<640xf32, #tpu.memory_space<vmem_shared>>
        tpu.enqueue_dma source(%dma_start3A_93 : memref<640xf32, #tpu.memory_space<vmem_shared>>) target(%dma_start3A_92 : memref<640xf32, #tpu.memory_space<vmem>>) target_semaphore(%run_scoped3A : memref<!tpu.dma_semaphore, #tpu.memory_space<semaphore_mem>>)
        %dma_wait3A_94 = arith.constant 0 : i32
        %dma_wait3A_95 = tpu.memref_slice %arg6[%dma_wait3A_94] : memref<640xf32, #tpu.memory_space<vmem>> -> memref<640xf32, #tpu.memory_space<vmem>>
        %dma_wait3A_96 = tpu.memref_slice %arg7[%mul3A_84] : memref<10128xf32, #tpu.memory_space<vmem_shared>> -> memref<640xf32, #tpu.memory_space<vmem_shared>>
        %dma_wait3A_97 = arith.constant 0 : i32
        %dma_wait3A_98 = tpu.memref_slice %arg6[%dma_wait3A_97] : memref<640xf32, #tpu.memory_space<vmem>> -> memref<640xf32, #tpu.memory_space<vmem>>
        %dma_wait3A_99 = tpu.memref_slice %arg7[%mul3A_84] : memref<10128xf32, #tpu.memory_space<vmem_shared>> -> memref<640xf32, #tpu.memory_space<vmem_shared>>
        tpu.wait_dma2 semaphore(%run_scoped3A : memref<!tpu.dma_semaphore, #tpu.memory_space<semaphore_mem>>) src(%dma_wait3A_99 : memref<640xf32, #tpu.memory_space<vmem_shared>>) dst(%dma_wait3A_98 : memref<640xf32, #tpu.memory_space<vmem>>)
        tpu.yield
      }) : () -> ()
      %mul3A_85 = arith.constant 10000 : i32
      %mul3A_86 = arith.muli %arg0, %mul3A_85 : i32
      %add3A_87 = arith.addi %mul3A_86, %mul3A_84 : i32
      "tpu.region"() ({
        %run_scoped3A = tpu.sem_alloc : memref<!tpu.dma_semaphore, #tpu.memory_space<semaphore_mem>>
        %dma_start3A_88 = arith.constant 0 : i32
        %dma_start3A_89 = tpu.memref_slice %arg6[%dma_start3A_88] : memref<640xf32, #tpu.memory_space<vmem>> -> memref<640xf32, #tpu.memory_space<vmem>>
        %dma_start3A_90 = tpu.memref_slice %arg3[%add3A_87] : memref<20000xf32, #tpu.memory_space<hbm>> -> memref<640xf32, #tpu.memory_space<hbm>>
        %dma_start3A_91 = tpu.memref_slice %arg3[%add3A_87] : memref<20000xf32, #tpu.memory_space<hbm>> -> memref<640xf32, #tpu.memory_space<hbm>>
        %dma_start3A_92 = arith.constant 0 : i32
        %dma_start3A_93 = tpu.memref_slice %arg6[%dma_start3A_92] : memref<640xf32, #tpu.memory_space<vmem>> -> memref<640xf32, #tpu.memory_space<vmem>>
        tpu.enqueue_dma source(%dma_start3A_93 : memref<640xf32, #tpu.memory_space<vmem>>) target(%dma_start3A_91 : memref<640xf32, #tpu.memory_space<hbm>>) target_semaphore(%run_scoped3A : memref<!tpu.dma_semaphore, #tpu.memory_space<semaphore_mem>>)
        %dma_wait3A_94 = arith.constant 0 : i32
        %dma_wait3A_95 = tpu.memref_slice %arg6[%dma_wait3A_94] : memref<640xf32, #tpu.memory_space<vmem>> -> memref<640xf32, #tpu.memory_space<vmem>>
        %dma_wait3A_96 = tpu.memref_slice %arg3[%add3A_87] : memref<20000xf32, #tpu.memory_space<hbm>> -> memref<640xf32, #tpu.memory_space<hbm>>
        %dma_wait3A_97 = tpu.memref_slice %arg3[%add3A_87] : memref<20000xf32, #tpu.memory_space<hbm>> -> memref<640xf32, #tpu.memory_space<hbm>>
        %dma_wait3A_98 = arith.constant 0 : i32
        %dma_wait3A_99 = tpu.memref_slice %arg6[%dma_wait3A_98] : memref<640xf32, #tpu.memory_space<vmem>> -> memref<640xf32, #tpu.memory_space<vmem>>
        tpu.wait_dma2 semaphore(%run_scoped3A : memref<!tpu.dma_semaphore, #tpu.memory_space<semaphore_mem>>) src(%dma_wait3A_99 : memref<640xf32, #tpu.memory_space<vmem>>) dst(%dma_wait3A_97 : memref<640xf32, #tpu.memory_space<hbm>>)
        tpu.yield
      }) : () -> ()
    } else {
    }
    %eq3A_78 = arith.constant 15 : i32
    %eq3A_79 = arith.cmpi eq, %arg1, %eq3A_78 : i32
    %convert_element_type3A_80 = arith.extui %eq3A_79 : i1 to i32
    %cond3A_81 = arith.constant 0 : i32
    %cond3A_82 = arith.cmpi ne, %convert_element_type3A_80, %cond3A_81 : i32
    scf.if %cond3A_82 {
      "tpu.region"() ({
        %run_scoped3A = tpu.sem_alloc : memref<!tpu.dma_semaphore, #tpu.memory_space<semaphore_mem>>
        %dma_start3A_87 = arith.constant 0 : i32
        %dma_start3A_88 = tpu.memref_slice %arg6[%dma_start3A_87] : memref<640xf32, #tpu.memory_space<vmem>> -> memref<400xf32, #tpu.memory_space<vmem>>
        %dma_start3A_89 = arith.constant 9600 : i32
        %dma_start3A_90 = tpu.memref_slice %arg7[%dma_start3A_89] : memref<10128xf32, #tpu.memory_space<vmem_shared>> -> memref<400xf32, #tpu.memory_space<vmem_shared>>
        %dma_start3A_91 = arith.constant 0 : i32
        %dma_start3A_92 = tpu.memref_slice %arg6[%dma_start3A_91] : memref<640xf32, #tpu.memory_space<vmem>> -> memref<400xf32, #tpu.memory_space<vmem>>
        %dma_start3A_93 = arith.constant 9600 : i32
        %dma_start3A_94 = tpu.memref_slice %arg7[%dma_start3A_93] : memref<10128xf32, #tpu.memory_space<vmem_shared>> -> memref<400xf32, #tpu.memory_space<vmem_shared>>
        tpu.enqueue_dma source(%dma_start3A_94 : memref<400xf32, #tpu.memory_space<vmem_shared>>) target(%dma_start3A_92 : memref<400xf32, #tpu.memory_space<vmem>>) target_semaphore(%run_scoped3A : memref<!tpu.dma_semaphore, #tpu.memory_space<semaphore_mem>>)
        %dma_wait3A_95 = arith.constant 0 : i32
        %dma_wait3A_96 = tpu.memref_slice %arg6[%dma_wait3A_95] : memref<640xf32, #tpu.memory_space<vmem>> -> memref<400xf32, #tpu.memory_space<vmem>>
        %dma_wait3A_97 = arith.constant 9600 : i32
        %dma_wait3A_98 = tpu.memref_slice %arg7[%dma_wait3A_97] : memref<10128xf32, #tpu.memory_space<vmem_shared>> -> memref<400xf32, #tpu.memory_space<vmem_shared>>
        %dma_wait3A_99 = arith.constant 0 : i32
        %dma_wait3A_100 = tpu.memref_slice %arg6[%dma_wait3A_99] : memref<640xf32, #tpu.memory_space<vmem>> -> memref<400xf32, #tpu.memory_space<vmem>>
        %dma_wait3A_101 = arith.constant 9600 : i32
        %dma_wait3A_102 = tpu.memref_slice %arg7[%dma_wait3A_101] : memref<10128xf32, #tpu.memory_space<vmem_shared>> -> memref<400xf32, #tpu.memory_space<vmem_shared>>
        tpu.wait_dma2 semaphore(%run_scoped3A : memref<!tpu.dma_semaphore, #tpu.memory_space<semaphore_mem>>) src(%dma_wait3A_102 : memref<400xf32, #tpu.memory_space<vmem_shared>>) dst(%dma_wait3A_100 : memref<400xf32, #tpu.memory_space<vmem>>)
        tpu.yield
      }) : () -> ()
      %mul3A_83 = arith.constant 10000 : i32
      %mul3A_84 = arith.muli %arg0, %mul3A_83 : i32
      %add3A_85 = arith.constant 9600 : i32
      %add3A_86 = arith.addi %mul3A_84, %add3A_85 : i32
      "tpu.region"() ({
        %run_scoped3A = tpu.sem_alloc : memref<!tpu.dma_semaphore, #tpu.memory_space<semaphore_mem>>
        %dma_start3A_87 = arith.constant 0 : i32
        %dma_start3A_88 = tpu.memref_slice %arg6[%dma_start3A_87] : memref<640xf32, #tpu.memory_space<vmem>> -> memref<400xf32, #tpu.memory_space<vmem>>
        %dma_start3A_89 = tpu.memref_slice %arg3[%add3A_86] : memref<20000xf32, #tpu.memory_space<hbm>> -> memref<400xf32, #tpu.memory_space<hbm>>
        %dma_start3A_90 = tpu.memref_slice %arg3[%add3A_86] : memref<20000xf32, #tpu.memory_space<hbm>> -> memref<400xf32, #tpu.memory_space<hbm>>
        %dma_start3A_91 = arith.constant 0 : i32
        %dma_start3A_92 = tpu.memref_slice %arg6[%dma_start3A_91] : memref<640xf32, #tpu.memory_space<vmem>> -> memref<400xf32, #tpu.memory_space<vmem>>
        tpu.enqueue_dma source(%dma_start3A_92 : memref<400xf32, #tpu.memory_space<vmem>>) target(%dma_start3A_90 : memref<400xf32, #tpu.memory_space<hbm>>) target_semaphore(%run_scoped3A : memref<!tpu.dma_semaphore, #tpu.memory_space<semaphore_mem>>)
        %dma_wait3A_93 = arith.constant 0 : i32
        %dma_wait3A_94 = tpu.memref_slice %arg6[%dma_wait3A_93] : memref<640xf32, #tpu.memory_space<vmem>> -> memref<400xf32, #tpu.memory_space<vmem>>
        %dma_wait3A_95 = tpu.memref_slice %arg3[%add3A_86] : memref<20000xf32, #tpu.memory_space<hbm>> -> memref<400xf32, #tpu.memory_space<hbm>>
        %dma_wait3A_96 = tpu.memref_slice %arg3[%add3A_86] : memref<20000xf32, #tpu.memory_space<hbm>> -> memref<400xf32, #tpu.memory_space<hbm>>
        %dma_wait3A_97 = arith.constant 0 : i32
        %dma_wait3A_98 = tpu.memref_slice %arg6[%dma_wait3A_97] : memref<640xf32, #tpu.memory_space<vmem>> -> memref<400xf32, #tpu.memory_space<vmem>>
        tpu.wait_dma2 semaphore(%run_scoped3A : memref<!tpu.dma_semaphore, #tpu.memory_space<semaphore_mem>>) src(%dma_wait3A_98 : memref<400xf32, #tpu.memory_space<vmem>>) dst(%dma_wait3A_96 : memref<400xf32, #tpu.memory_space<hbm>>)
        tpu.yield
      }) : () -> ()
    } else {
    }
    return
  }
}

#map = affine_map<(d0, d1) -> (0, 0)>
#map1 = affine_map<(d0, d1) -> (0, 0, 0)>
module attributes {stable_mosaic.version = 14 : i64} {
  func.func @_hop_body(%arg0: i32, %arg1: i32, %arg2: memref<10000x128xf32, #tpu.memory_space<hbm>>, %arg3: memref<2560x128xi32, #tpu.memory_space<hbm>>, %arg4: memref<2560x128xi32, #tpu.memory_space<hbm>>, %arg5: memref<10000x128xf32, #tpu.memory_space<hbm>>, %arg6: memref<2x10000x128xf32, #tpu.memory_space<hbm>>, %arg7: memref<80x128xi32, #tpu.memory_space<vmem>>, %arg8: memref<128xi32, #tpu.memory_space<vmem>>, %arg9: memref<128xi32, #tpu.memory_space<vmem>>, %arg10: memref<128x128xf32, #tpu.memory_space<vmem>>, %arg11: memref<128x128xf32, #tpu.memory_space<vmem>>, %arg12: memref<10128x128xf32, #tpu.memory_space<vmem_shared>>, %arg13: memref<!tpu.dma_semaphore, #tpu.memory_space<semaphore_mem>>, %arg14: memref<!tpu.dma_semaphore, #tpu.memory_space<semaphore_mem>>, %arg15: memref<!tpu.dma_semaphore, #tpu.memory_space<semaphore_mem>>, %arg16: memref<!tpu.dma_semaphore, #tpu.memory_space<semaphore_mem>>, %arg17: memref<!tpu.dma_semaphore, #tpu.memory_space<semaphore_mem>>) attributes {dimension_semantics = [#tpu.dimension_semantics<core_parallel>, #tpu.dimension_semantics<subcore_parallel>], iteration_bounds = array<i64: 2, 16>, scalar_prefetch = 0 : i64, scratch_operands = 11 : i64, tpu.core_type = #tpu.core_type<sc_vector_subcore>, window_params = [{transform_indices = #map}, {transform_indices = #map}, {transform_indices = #map}, {transform_indices = #map}, {transform_indices = #map1}]} {
    %mul3A = arith.constant 16 : i32
    %mul3A_0 = arith.muli %arg0, %mul3A : i32
    %add3A = arith.addi %mul3A_0, %arg1 : i32
    %mul3A_1 = arith.constant 80 : i32
    %mul3A_2 = arith.muli %add3A, %mul3A_1 : i32
    %dma_start3A = arith.constant 0 : i32
    %dma_start3A_3 = tpu.memref_slice %arg3[%mul3A_2, %dma_start3A] : memref<2560x128xi32, #tpu.memory_space<hbm>> -> memref<80x128xi32, #tpu.memory_space<hbm>>
    %dma_start3A_4 = arith.constant 0 : i32
    %dma_start3A_5 = tpu.memref_slice %arg3[%mul3A_2, %dma_start3A_4] : memref<2560x128xi32, #tpu.memory_space<hbm>> -> memref<80x128xi32, #tpu.memory_space<hbm>>
    tpu.enqueue_dma source(%dma_start3A_5 : memref<80x128xi32, #tpu.memory_space<hbm>>) target(%arg7 : memref<80x128xi32, #tpu.memory_space<vmem>>) target_semaphore(%arg17 : memref<!tpu.dma_semaphore, #tpu.memory_space<semaphore_mem>>)
    %lt3A = arith.constant 15 : i32
    %lt3A_6 = arith.cmpi slt, %arg1, %lt3A : i32
    %convert_element_type3A = arith.extui %lt3A_6 : i1 to i32
    %cond3A = arith.constant 0 : i32
    %cond3A_7 = arith.cmpi ne, %convert_element_type3A, %cond3A : i32
    scf.if %cond3A_7 {
      %mul3A_46 = arith.constant 640 : i32
      %mul3A_47 = arith.muli %arg1, %mul3A_46 : i32
      "tpu.region"() ({
        %run_scoped3A = tpu.sem_alloc : memref<!tpu.dma_semaphore, #tpu.memory_space<semaphore_mem>>
        %dma_start3A_48 = arith.constant 0 : i32
        %dma_start3A_49 = tpu.memref_slice %arg12[%mul3A_47, %dma_start3A_48] : memref<10128x128xf32, #tpu.memory_space<vmem_shared>> -> memref<640x128xf32, #tpu.memory_space<vmem_shared>>
        %dma_start3A_50 = arith.constant 0 : i32
        %dma_start3A_51 = tpu.memref_slice %arg5[%mul3A_47, %dma_start3A_50] : memref<10000x128xf32, #tpu.memory_space<hbm>> -> memref<640x128xf32, #tpu.memory_space<hbm>>
        tpu.enqueue_dma source(%dma_start3A_51 : memref<640x128xf32, #tpu.memory_space<hbm>>) target(%dma_start3A_49 : memref<640x128xf32, #tpu.memory_space<vmem_shared>>) target_semaphore(%run_scoped3A : memref<!tpu.dma_semaphore, #tpu.memory_space<semaphore_mem>>)
        %dma_wait3A_52 = arith.constant 0 : i32
        %dma_wait3A_53 = tpu.memref_slice %arg12[%mul3A_47, %dma_wait3A_52] : memref<10128x128xf32, #tpu.memory_space<vmem_shared>> -> memref<640x128xf32, #tpu.memory_space<vmem_shared>>
        %dma_wait3A_54 = arith.constant 0 : i32
        %dma_wait3A_55 = tpu.memref_slice %arg5[%mul3A_47, %dma_wait3A_54] : memref<10000x128xf32, #tpu.memory_space<hbm>> -> memref<640x128xf32, #tpu.memory_space<hbm>>
        tpu.wait_dma2 semaphore(%run_scoped3A : memref<!tpu.dma_semaphore, #tpu.memory_space<semaphore_mem>>) src(%dma_wait3A_55 : memref<640x128xf32, #tpu.memory_space<hbm>>) dst(%dma_wait3A_53 : memref<640x128xf32, #tpu.memory_space<vmem_shared>>)
        tpu.yield
      }) : () -> ()
    } else {
    }
    %eq3A = arith.constant 15 : i32
    %eq3A_8 = arith.cmpi eq, %arg1, %eq3A : i32
    %convert_element_type3A_9 = arith.extui %eq3A_8 : i1 to i32
    %cond3A_10 = arith.constant 0 : i32
    %cond3A_11 = arith.cmpi ne, %convert_element_type3A_9, %cond3A_10 : i32
    scf.if %cond3A_11 {
      "tpu.region"() ({
        %run_scoped3A = tpu.sem_alloc : memref<!tpu.dma_semaphore, #tpu.memory_space<semaphore_mem>>
        %dma_start3A_46 = arith.constant 9600 : i32
        %dma_start3A_47 = arith.constant 0 : i32
        %dma_start3A_48 = tpu.memref_slice %arg12[%dma_start3A_46, %dma_start3A_47] : memref<10128x128xf32, #tpu.memory_space<vmem_shared>> -> memref<400x128xf32, #tpu.memory_space<vmem_shared>>
        %dma_start3A_49 = arith.constant 9600 : i32
        %dma_start3A_50 = arith.constant 0 : i32
        %dma_start3A_51 = tpu.memref_slice %arg5[%dma_start3A_49, %dma_start3A_50] : memref<10000x128xf32, #tpu.memory_space<hbm>> -> memref<400x128xf32, #tpu.memory_space<hbm>>
        tpu.enqueue_dma source(%dma_start3A_51 : memref<400x128xf32, #tpu.memory_space<hbm>>) target(%dma_start3A_48 : memref<400x128xf32, #tpu.memory_space<vmem_shared>>) target_semaphore(%run_scoped3A : memref<!tpu.dma_semaphore, #tpu.memory_space<semaphore_mem>>)
        %dma_wait3A_52 = arith.constant 9600 : i32
        %dma_wait3A_53 = arith.constant 0 : i32
        %dma_wait3A_54 = tpu.memref_slice %arg12[%dma_wait3A_52, %dma_wait3A_53] : memref<10128x128xf32, #tpu.memory_space<vmem_shared>> -> memref<400x128xf32, #tpu.memory_space<vmem_shared>>
        %dma_wait3A_55 = arith.constant 9600 : i32
        %dma_wait3A_56 = arith.constant 0 : i32
        %dma_wait3A_57 = tpu.memref_slice %arg5[%dma_wait3A_55, %dma_wait3A_56] : memref<10000x128xf32, #tpu.memory_space<hbm>> -> memref<400x128xf32, #tpu.memory_space<hbm>>
        tpu.wait_dma2 semaphore(%run_scoped3A : memref<!tpu.dma_semaphore, #tpu.memory_space<semaphore_mem>>) src(%dma_wait3A_57 : memref<400x128xf32, #tpu.memory_space<hbm>>) dst(%dma_wait3A_54 : memref<400x128xf32, #tpu.memory_space<vmem_shared>>)
        tpu.yield
      }) : () -> ()
    } else {
    }
    %dma_wait3A = arith.constant 0 : i32
    %dma_wait3A_12 = tpu.memref_slice %arg3[%mul3A_2, %dma_wait3A] : memref<2560x128xi32, #tpu.memory_space<hbm>> -> memref<80x128xi32, #tpu.memory_space<hbm>>
    %dma_wait3A_13 = arith.constant 0 : i32
    %dma_wait3A_14 = tpu.memref_slice %arg3[%mul3A_2, %dma_wait3A_13] : memref<2560x128xi32, #tpu.memory_space<hbm>> -> memref<80x128xi32, #tpu.memory_space<hbm>>
    tpu.wait_dma2 semaphore(%arg17 : memref<!tpu.dma_semaphore, #tpu.memory_space<semaphore_mem>>) src(%dma_wait3A_14 : memref<80x128xi32, #tpu.memory_space<hbm>>) dst(%arg7 : memref<80x128xi32, #tpu.memory_space<vmem>>)
    %barrier3A = arith.constant 0 : index
    tpu.barrier barrier_id(%barrier3A)
    %add3A_15 = arith.constant 0 : i32
    %add3A_16 = arith.addi %mul3A_2, %add3A_15 : i32
    %dma_start3A_17 = arith.constant 0 : i32
    %dma_start3A_18 = tpu.memref_slice %arg4[%add3A_16, %dma_start3A_17] : memref<2560x128xi32, #tpu.memory_space<hbm>> -> memref<1x128xi32, #tpu.memory_space<hbm>>
    %dma_start3A_19 = tpu.memref_squeeze %dma_start3A_18 : memref<1x128xi32, #tpu.memory_space<hbm>> -> memref<128xi32, #tpu.memory_space<hbm>>
    %dma_start3A_20 = arith.constant 0 : i32
    %dma_start3A_21 = tpu.memref_slice %arg4[%add3A_16, %dma_start3A_20] : memref<2560x128xi32, #tpu.memory_space<hbm>> -> memref<1x128xi32, #tpu.memory_space<hbm>>
    %dma_start3A_22 = tpu.memref_squeeze %dma_start3A_21 : memref<1x128xi32, #tpu.memory_space<hbm>> -> memref<128xi32, #tpu.memory_space<hbm>>
    tpu.enqueue_dma source(%dma_start3A_22 : memref<128xi32, #tpu.memory_space<hbm>>) target(%arg8 : memref<128xi32, #tpu.memory_space<vmem>>) target_semaphore(%arg15 : memref<!tpu.dma_semaphore, #tpu.memory_space<semaphore_mem>>)
    %dma_start3A_23 = arith.constant 0 : i32
    %dma_start3A_24 = arith.constant 0 : i32
    %dma_start3A_25 = tpu.memref_slice %arg7[%dma_start3A_23, %dma_start3A_24] : memref<80x128xi32, #tpu.memory_space<vmem>> -> memref<1x128xi32, #tpu.memory_space<vmem>>
    %dma_start3A_26 = tpu.memref_squeeze %dma_start3A_25 : memref<1x128xi32, #tpu.memory_space<vmem>> -> memref<128xi32, #tpu.memory_space<vmem>>
    %dma_start3A_27 = arith.constant 0 : i32
    %dma_start3A_28 = arith.constant 0 : i32
    %dma_start3A_29 = tpu.memref_slice %arg2[%dma_start3A_27, %dma_start3A_28] : memref<10000x128xf32, #tpu.memory_space<hbm>> -> memref<10000x128xf32, #tpu.memory_space<hbm>>
    tpu.enqueue_indirect_dma source(%dma_start3A_29 : memref<10000x128xf32, #tpu.memory_space<hbm>>) target(%arg10 : memref<128x128xf32, #tpu.memory_space<vmem>>) offsets(%dma_start3A_26 : memref<128xi32, #tpu.memory_space<vmem>>) semaphore(%arg13 : memref<!tpu.dma_semaphore, #tpu.memory_space<semaphore_mem>>)
    %scan3A = arith.constant 0 : i32
    %scan3A_30 = arith.constant 0 : i32
    %scan3A_31 = arith.constant 40 : i32
    %scan3A_32 = arith.addi %scan3A_30, %scan3A_31 : i32
    %scan3A_33 = arith.constant 1 : i32
    scf.for %scan3A_46 = %scan3A_30 to %scan3A_32 step %scan3A_33  : i32 {
      %mul3A_47 = arith.constant 2 : i32
      %mul3A_48 = arith.muli %mul3A_47, %scan3A_46 : i32
      %add3A_49 = arith.constant 1 : i32
      %add3A_50 = arith.addi %mul3A_48, %add3A_49 : i32
      %mul3A_51 = arith.constant 2 : i32
      %mul3A_52 = arith.muli %mul3A_51, %scan3A_46 : i32
      %add3A_53 = arith.constant 2 : i32
      %add3A_54 = arith.addi %mul3A_52, %add3A_53 : i32
      %add3A_55 = arith.addi %mul3A_2, %add3A_50 : i32
      %dma_start3A_56 = arith.constant 0 : i32
      %dma_start3A_57 = tpu.memref_slice %arg4[%add3A_55, %dma_start3A_56] : memref<2560x128xi32, #tpu.memory_space<hbm>> -> memref<1x128xi32, #tpu.memory_space<hbm>>
      %dma_start3A_58 = tpu.memref_squeeze %dma_start3A_57 : memref<1x128xi32, #tpu.memory_space<hbm>> -> memref<128xi32, #tpu.memory_space<hbm>>
      %dma_start3A_59 = arith.constant 0 : i32
      %dma_start3A_60 = tpu.memref_slice %arg4[%add3A_55, %dma_start3A_59] : memref<2560x128xi32, #tpu.memory_space<hbm>> -> memref<1x128xi32, #tpu.memory_space<hbm>>
      %dma_start3A_61 = tpu.memref_squeeze %dma_start3A_60 : memref<1x128xi32, #tpu.memory_space<hbm>> -> memref<128xi32, #tpu.memory_space<hbm>>
      tpu.enqueue_dma source(%dma_start3A_61 : memref<128xi32, #tpu.memory_space<hbm>>) target(%arg9 : memref<128xi32, #tpu.memory_space<vmem>>) target_semaphore(%arg16 : memref<!tpu.dma_semaphore, #tpu.memory_space<semaphore_mem>>)
      %dma_start3A_62 = arith.constant 0 : i32
      %dma_start3A_63 = tpu.memref_slice %arg7[%add3A_50, %dma_start3A_62] : memref<80x128xi32, #tpu.memory_space<vmem>> -> memref<1x128xi32, #tpu.memory_space<vmem>>
      %dma_start3A_64 = tpu.memref_squeeze %dma_start3A_63 : memref<1x128xi32, #tpu.memory_space<vmem>> -> memref<128xi32, #tpu.memory_space<vmem>>
      %dma_start3A_65 = arith.constant 0 : i32
      %dma_start3A_66 = arith.constant 0 : i32
      %dma_start3A_67 = tpu.memref_slice %arg2[%dma_start3A_65, %dma_start3A_66] : memref<10000x128xf32, #tpu.memory_space<hbm>> -> memref<10000x128xf32, #tpu.memory_space<hbm>>
      tpu.enqueue_indirect_dma source(%dma_start3A_67 : memref<10000x128xf32, #tpu.memory_space<hbm>>) target(%arg11 : memref<128x128xf32, #tpu.memory_space<vmem>>) offsets(%dma_start3A_64 : memref<128xi32, #tpu.memory_space<vmem>>) semaphore(%arg14 : memref<!tpu.dma_semaphore, #tpu.memory_space<semaphore_mem>>)
      %dma_wait3A_68 = arith.constant 0 : i32
      %dma_wait3A_69 = arith.constant 0 : i32
      %dma_wait3A_70 = tpu.memref_slice %arg7[%dma_wait3A_68, %dma_wait3A_69] : memref<80x128xi32, #tpu.memory_space<vmem>> -> memref<1x128xi32, #tpu.memory_space<vmem>>
      %dma_wait3A_71 = tpu.memref_squeeze %dma_wait3A_70 : memref<1x128xi32, #tpu.memory_space<vmem>> -> memref<128xi32, #tpu.memory_space<vmem>>
      %dma_wait3A_72 = arith.constant 0 : i32
      %dma_wait3A_73 = arith.constant 0 : i32
      %dma_wait3A_74 = tpu.memref_slice %arg2[%dma_wait3A_72, %dma_wait3A_73] : memref<10000x128xf32, #tpu.memory_space<hbm>> -> memref<10000x128xf32, #tpu.memory_space<hbm>>
      tpu.wait_indirect_dma semaphore(%arg13 : memref<!tpu.dma_semaphore, #tpu.memory_space<semaphore_mem>>) src(%dma_wait3A_74 : memref<10000x128xf32, #tpu.memory_space<hbm>>) dst(%arg10 : memref<128x128xf32, #tpu.memory_space<vmem>>)
      %dma_wait3A_75 = arith.constant 0 : i32
      %dma_wait3A_76 = tpu.memref_slice %arg4[%mul3A_2, %dma_wait3A_75] : memref<2560x128xi32, #tpu.memory_space<hbm>> -> memref<1x128xi32, #tpu.memory_space<hbm>>
      %dma_wait3A_77 = tpu.memref_squeeze %dma_wait3A_76 : memref<1x128xi32, #tpu.memory_space<hbm>> -> memref<128xi32, #tpu.memory_space<hbm>>
      %dma_wait3A_78 = arith.constant 0 : i32
      %dma_wait3A_79 = tpu.memref_slice %arg4[%mul3A_2, %dma_wait3A_78] : memref<2560x128xi32, #tpu.memory_space<hbm>> -> memref<1x128xi32, #tpu.memory_space<hbm>>
      %dma_wait3A_80 = tpu.memref_squeeze %dma_wait3A_79 : memref<1x128xi32, #tpu.memory_space<hbm>> -> memref<128xi32, #tpu.memory_space<hbm>>
      tpu.wait_dma2 semaphore(%arg15 : memref<!tpu.dma_semaphore, #tpu.memory_space<semaphore_mem>>) src(%dma_wait3A_80 : memref<128xi32, #tpu.memory_space<hbm>>) dst(%arg8 : memref<128xi32, #tpu.memory_space<vmem>>)
      "tpu.region"() ({
        %run_scoped3A = tpu.sem_alloc : memref<!tpu.dma_semaphore, #tpu.memory_space<semaphore_mem>>
        %dma_start3A_99 = arith.constant 0 : i32
        %dma_start3A_100 = arith.constant 0 : i32
        %dma_start3A_101 = tpu.memref_slice %arg12[%dma_start3A_99, %dma_start3A_100] : memref<10128x128xf32, #tpu.memory_space<vmem_shared>> -> memref<10128x128xf32, #tpu.memory_space<vmem_shared>>
        tpu.enqueue_indirect_dma source(%arg10 : memref<128x128xf32, #tpu.memory_space<vmem>>) target(%dma_start3A_101 : memref<10128x128xf32, #tpu.memory_space<vmem_shared>>) offsets(%arg8 : memref<128xi32, #tpu.memory_space<vmem>>) semaphore(%run_scoped3A : memref<!tpu.dma_semaphore, #tpu.memory_space<semaphore_mem>>) {add = true}
        %dma_wait3A_102 = arith.constant 0 : i32
        %dma_wait3A_103 = arith.constant 0 : i32
        %dma_wait3A_104 = tpu.memref_slice %arg12[%dma_wait3A_102, %dma_wait3A_103] : memref<10128x128xf32, #tpu.memory_space<vmem_shared>> -> memref<10128x128xf32, #tpu.memory_space<vmem_shared>>
        tpu.wait_indirect_dma semaphore(%run_scoped3A : memref<!tpu.dma_semaphore, #tpu.memory_space<semaphore_mem>>) src(%arg10 : memref<128x128xf32, #tpu.memory_space<vmem>>) dst(%dma_wait3A_104 : memref<10128x128xf32, #tpu.memory_space<vmem_shared>>)
        tpu.yield
      }) : () -> ()
      %lt3A_81 = arith.constant 80 : i32
      %lt3A_82 = arith.cmpi slt, %add3A_54, %lt3A_81 : i32
      %convert_element_type3A_83 = arith.extui %lt3A_82 : i1 to i32
      %cond3A_84 = arith.constant 0 : i32
      %cond3A_85 = arith.cmpi ne, %convert_element_type3A_83, %cond3A_84 : i32
      scf.if %cond3A_85 {
        %add3A_99 = arith.addi %mul3A_2, %add3A_54 : i32
        %dma_start3A_100 = arith.constant 0 : i32
        %dma_start3A_101 = tpu.memref_slice %arg4[%add3A_99, %dma_start3A_100] : memref<2560x128xi32, #tpu.memory_space<hbm>> -> memref<1x128xi32, #tpu.memory_space<hbm>>
        %dma_start3A_102 = tpu.memref_squeeze %dma_start3A_101 : memref<1x128xi32, #tpu.memory_space<hbm>> -> memref<128xi32, #tpu.memory_space<hbm>>
        %dma_start3A_103 = arith.constant 0 : i32
        %dma_start3A_104 = tpu.memref_slice %arg4[%add3A_99, %dma_start3A_103] : memref<2560x128xi32, #tpu.memory_space<hbm>> -> memref<1x128xi32, #tpu.memory_space<hbm>>
        %dma_start3A_105 = tpu.memref_squeeze %dma_start3A_104 : memref<1x128xi32, #tpu.memory_space<hbm>> -> memref<128xi32, #tpu.memory_space<hbm>>
        tpu.enqueue_dma source(%dma_start3A_105 : memref<128xi32, #tpu.memory_space<hbm>>) target(%arg8 : memref<128xi32, #tpu.memory_space<vmem>>) target_semaphore(%arg15 : memref<!tpu.dma_semaphore, #tpu.memory_space<semaphore_mem>>)
        %dma_start3A_106 = arith.constant 0 : i32
        %dma_start3A_107 = tpu.memref_slice %arg7[%add3A_54, %dma_start3A_106] : memref<80x128xi32, #tpu.memory_space<vmem>> -> memref<1x128xi32, #tpu.memory_space<vmem>>
        %dma_start3A_108 = tpu.memref_squeeze %dma_start3A_107 : memref<1x128xi32, #tpu.memory_space<vmem>> -> memref<128xi32, #tpu.memory_space<vmem>>
        %dma_start3A_109 = arith.constant 0 : i32
        %dma_start3A_110 = arith.constant 0 : i32
        %dma_start3A_111 = tpu.memref_slice %arg2[%dma_start3A_109, %dma_start3A_110] : memref<10000x128xf32, #tpu.memory_space<hbm>> -> memref<10000x128xf32, #tpu.memory_space<hbm>>
        tpu.enqueue_indirect_dma source(%dma_start3A_111 : memref<10000x128xf32, #tpu.memory_space<hbm>>) target(%arg10 : memref<128x128xf32, #tpu.memory_space<vmem>>) offsets(%dma_start3A_108 : memref<128xi32, #tpu.memory_space<vmem>>) semaphore(%arg13 : memref<!tpu.dma_semaphore, #tpu.memory_space<semaphore_mem>>)
      } else {
      }
      %dma_wait3A_86 = arith.constant 0 : i32
      %dma_wait3A_87 = arith.constant 0 : i32
      %dma_wait3A_88 = tpu.memref_slice %arg7[%dma_wait3A_86, %dma_wait3A_87] : memref<80x128xi32, #tpu.memory_space<vmem>> -> memref<1x128xi32, #tpu.memory_space<vmem>>
      %dma_wait3A_89 = tpu.memref_squeeze %dma_wait3A_88 : memref<1x128xi32, #tpu.memory_space<vmem>> -> memref<128xi32, #tpu.memory_space<vmem>>
      %dma_wait3A_90 = arith.constant 0 : i32
      %dma_wait3A_91 = arith.constant 0 : i32
      %dma_wait3A_92 = tpu.memref_slice %arg2[%dma_wait3A_90, %dma_wait3A_91] : memref<10000x128xf32, #tpu.memory_space<hbm>> -> memref<10000x128xf32, #tpu.memory_space<hbm>>
      tpu.wait_indirect_dma semaphore(%arg14 : memref<!tpu.dma_semaphore, #tpu.memory_space<semaphore_mem>>) src(%dma_wait3A_92 : memref<10000x128xf32, #tpu.memory_space<hbm>>) dst(%arg11 : memref<128x128xf32, #tpu.memory_space<vmem>>)
      %dma_wait3A_93 = arith.constant 0 : i32
      %dma_wait3A_94 = tpu.memref_slice %arg4[%mul3A_2, %dma_wait3A_93] : memref<2560x128xi32, #tpu.memory_space<hbm>> -> memref<1x128xi32, #tpu.memory_space<hbm>>
      %dma_wait3A_95 = tpu.memref_squeeze %dma_wait3A_94 : memref<1x128xi32, #tpu.memory_space<hbm>> -> memref<128xi32, #tpu.memory_space<hbm>>
      %dma_wait3A_96 = arith.constant 0 : i32
      %dma_wait3A_97 = tpu.memref_slice %arg4[%mul3A_2, %dma_wait3A_96] : memref<2560x128xi32, #tpu.memory_space<hbm>> -> memref<1x128xi32, #tpu.memory_space<hbm>>
      %dma_wait3A_98 = tpu.memref_squeeze %dma_wait3A_97 : memref<1x128xi32, #tpu.memory_space<hbm>> -> memref<128xi32, #tpu.memory_space<hbm>>
      tpu.wait_dma2 semaphore(%arg16 : memref<!tpu.dma_semaphore, #tpu.memory_space<semaphore_mem>>) src(%dma_wait3A_98 : memref<128xi32, #tpu.memory_space<hbm>>) dst(%arg9 : memref<128xi32, #tpu.memory_space<vmem>>)
      "tpu.region"() ({
        %run_scoped3A = tpu.sem_alloc : memref<!tpu.dma_semaphore, #tpu.memory_space<semaphore_mem>>
        %dma_start3A_99 = arith.constant 0 : i32
        %dma_start3A_100 = arith.constant 0 : i32
        %dma_start3A_101 = tpu.memref_slice %arg12[%dma_start3A_99, %dma_start3A_100] : memref<10128x128xf32, #tpu.memory_space<vmem_shared>> -> memref<10128x128xf32, #tpu.memory_space<vmem_shared>>
        tpu.enqueue_indirect_dma source(%arg11 : memref<128x128xf32, #tpu.memory_space<vmem>>) target(%dma_start3A_101 : memref<10128x128xf32, #tpu.memory_space<vmem_shared>>) offsets(%arg9 : memref<128xi32, #tpu.memory_space<vmem>>) semaphore(%run_scoped3A : memref<!tpu.dma_semaphore, #tpu.memory_space<semaphore_mem>>) {add = true}
        %dma_wait3A_102 = arith.constant 0 : i32
        %dma_wait3A_103 = arith.constant 0 : i32
        %dma_wait3A_104 = tpu.memref_slice %arg12[%dma_wait3A_102, %dma_wait3A_103] : memref<10128x128xf32, #tpu.memory_space<vmem_shared>> -> memref<10128x128xf32, #tpu.memory_space<vmem_shared>>
        tpu.wait_indirect_dma semaphore(%run_scoped3A : memref<!tpu.dma_semaphore, #tpu.memory_space<semaphore_mem>>) src(%arg11 : memref<128x128xf32, #tpu.memory_space<vmem>>) dst(%dma_wait3A_104 : memref<10128x128xf32, #tpu.memory_space<vmem_shared>>)
        tpu.yield
      }) : () -> ()
    }
    %scan3A_34 = arith.constant 40 : i32
    %barrier3A_35 = arith.constant 0 : index
    tpu.barrier barrier_id(%barrier3A_35)
    %lt3A_36 = arith.constant 15 : i32
    %lt3A_37 = arith.cmpi slt, %arg1, %lt3A_36 : i32
    %convert_element_type3A_38 = arith.extui %lt3A_37 : i1 to i32
    %cond3A_39 = arith.constant 0 : i32
    %cond3A_40 = arith.cmpi ne, %convert_element_type3A_38, %cond3A_39 : i32
    scf.if %cond3A_40 {
      %mul3A_46 = arith.constant 640 : i32
      %mul3A_47 = arith.muli %arg1, %mul3A_46 : i32
      "tpu.region"() ({
        %run_scoped3A = tpu.sem_alloc : memref<!tpu.dma_semaphore, #tpu.memory_space<semaphore_mem>>
        %dma_start3A_48 = arith.constant 0 : i32
        %dma_start3A_49 = tpu.memref_slice %arg6[%arg0, %mul3A_47, %dma_start3A_48] : memref<2x10000x128xf32, #tpu.memory_space<hbm>> -> memref<1x640x128xf32, #tpu.memory_space<hbm>>
        %dma_start3A_50 = tpu.memref_squeeze %dma_start3A_49 : memref<1x640x128xf32, #tpu.memory_space<hbm>> -> memref<640x128xf32, #tpu.memory_space<hbm>>
        %dma_start3A_51 = arith.constant 0 : i32
        %dma_start3A_52 = tpu.memref_slice %arg12[%mul3A_47, %dma_start3A_51] : memref<10128x128xf32, #tpu.memory_space<vmem_shared>> -> memref<640x128xf32, #tpu.memory_space<vmem_shared>>
        tpu.enqueue_dma source(%dma_start3A_52 : memref<640x128xf32, #tpu.memory_space<vmem_shared>>) target(%dma_start3A_50 : memref<640x128xf32, #tpu.memory_space<hbm>>) target_semaphore(%run_scoped3A : memref<!tpu.dma_semaphore, #tpu.memory_space<semaphore_mem>>)
        %dma_wait3A_53 = arith.constant 0 : i32
        %dma_wait3A_54 = tpu.memref_slice %arg6[%arg0, %mul3A_47, %dma_wait3A_53] : memref<2x10000x128xf32, #tpu.memory_space<hbm>> -> memref<1x640x128xf32, #tpu.memory_space<hbm>>
        %dma_wait3A_55 = tpu.memref_squeeze %dma_wait3A_54 : memref<1x640x128xf32, #tpu.memory_space<hbm>> -> memref<640x128xf32, #tpu.memory_space<hbm>>
        %dma_wait3A_56 = arith.constant 0 : i32
        %dma_wait3A_57 = tpu.memref_slice %arg12[%mul3A_47, %dma_wait3A_56] : memref<10128x128xf32, #tpu.memory_space<vmem_shared>> -> memref<640x128xf32, #tpu.memory_space<vmem_shared>>
        tpu.wait_dma2 semaphore(%run_scoped3A : memref<!tpu.dma_semaphore, #tpu.memory_space<semaphore_mem>>) src(%dma_wait3A_57 : memref<640x128xf32, #tpu.memory_space<vmem_shared>>) dst(%dma_wait3A_55 : memref<640x128xf32, #tpu.memory_space<hbm>>)
        tpu.yield
      }) : () -> ()
    } else {
    }
    %eq3A_41 = arith.constant 15 : i32
    %eq3A_42 = arith.cmpi eq, %arg1, %eq3A_41 : i32
    %convert_element_type3A_43 = arith.extui %eq3A_42 : i1 to i32
    %cond3A_44 = arith.constant 0 : i32
    %cond3A_45 = arith.cmpi ne, %convert_element_type3A_43, %cond3A_44 : i32
    scf.if %cond3A_45 {
      "tpu.region"() ({
        %run_scoped3A = tpu.sem_alloc : memref<!tpu.dma_semaphore, #tpu.memory_space<semaphore_mem>>
        %dma_start3A_46 = arith.constant 9600 : i32
        %dma_start3A_47 = arith.constant 0 : i32
        %dma_start3A_48 = tpu.memref_slice %arg6[%arg0, %dma_start3A_46, %dma_start3A_47] : memref<2x10000x128xf32, #tpu.memory_space<hbm>> -> memref<1x400x128xf32, #tpu.memory_space<hbm>>
        %dma_start3A_49 = tpu.memref_squeeze %dma_start3A_48 : memref<1x400x128xf32, #tpu.memory_space<hbm>> -> memref<400x128xf32, #tpu.memory_space<hbm>>
        %dma_start3A_50 = arith.constant 9600 : i32
        %dma_start3A_51 = arith.constant 0 : i32
        %dma_start3A_52 = tpu.memref_slice %arg12[%dma_start3A_50, %dma_start3A_51] : memref<10128x128xf32, #tpu.memory_space<vmem_shared>> -> memref<400x128xf32, #tpu.memory_space<vmem_shared>>
        tpu.enqueue_dma source(%dma_start3A_52 : memref<400x128xf32, #tpu.memory_space<vmem_shared>>) target(%dma_start3A_49 : memref<400x128xf32, #tpu.memory_space<hbm>>) target_semaphore(%run_scoped3A : memref<!tpu.dma_semaphore, #tpu.memory_space<semaphore_mem>>)
        %dma_wait3A_53 = arith.constant 9600 : i32
        %dma_wait3A_54 = arith.constant 0 : i32
        %dma_wait3A_55 = tpu.memref_slice %arg6[%arg0, %dma_wait3A_53, %dma_wait3A_54] : memref<2x10000x128xf32, #tpu.memory_space<hbm>> -> memref<1x400x128xf32, #tpu.memory_space<hbm>>
        %dma_wait3A_56 = tpu.memref_squeeze %dma_wait3A_55 : memref<1x400x128xf32, #tpu.memory_space<hbm>> -> memref<400x128xf32, #tpu.memory_space<hbm>>
        %dma_wait3A_57 = arith.constant 9600 : i32
        %dma_wait3A_58 = arith.constant 0 : i32
        %dma_wait3A_59 = tpu.memref_slice %arg12[%dma_wait3A_57, %dma_wait3A_58] : memref<10128x128xf32, #tpu.memory_space<vmem_shared>> -> memref<400x128xf32, #tpu.memory_space<vmem_shared>>
        tpu.wait_dma2 semaphore(%run_scoped3A : memref<!tpu.dma_semaphore, #tpu.memory_space<semaphore_mem>>) src(%dma_wait3A_59 : memref<400x128xf32, #tpu.memory_space<vmem_shared>>) dst(%dma_wait3A_56 : memref<400x128xf32, #tpu.memory_space<hbm>>)
        tpu.yield
      }) : () -> ()
    } else {
    }
    return
  }
}

#map = affine_map<(d0, d1) -> (0, 0)>
#map1 = affine_map<(d0, d1) -> (0, 0, 0)>
module attributes {stable_mosaic.version = 14 : i64} {
  func.func @_hop_body(%arg0: i32, %arg1: i32, %arg2: memref<10000x128xf32, #tpu.memory_space<hbm>>, %arg3: memref<2560x128xi32, #tpu.memory_space<hbm>>, %arg4: memref<2560x128xi32, #tpu.memory_space<hbm>>, %arg5: memref<10000x128xf32, #tpu.memory_space<hbm>>, %arg6: memref<2x10000x128xf32, #tpu.memory_space<hbm>>, %arg7: memref<80x128xi32, #tpu.memory_space<vmem>>, %arg8: memref<128xi32, #tpu.memory_space<vmem>>, %arg9: memref<128xi32, #tpu.memory_space<vmem>>, %arg10: memref<128x128xf32, #tpu.memory_space<vmem>>, %arg11: memref<128x128xf32, #tpu.memory_space<vmem>>, %arg12: memref<10128x128xf32, #tpu.memory_space<vmem_shared>>, %arg13: memref<!tpu.dma_semaphore, #tpu.memory_space<semaphore_mem>>, %arg14: memref<!tpu.dma_semaphore, #tpu.memory_space<semaphore_mem>>, %arg15: memref<!tpu.dma_semaphore, #tpu.memory_space<semaphore_mem>>, %arg16: memref<!tpu.dma_semaphore, #tpu.memory_space<semaphore_mem>>, %arg17: memref<!tpu.dma_semaphore, #tpu.memory_space<semaphore_mem>>) attributes {dimension_semantics = [#tpu.dimension_semantics<core_parallel>, #tpu.dimension_semantics<subcore_parallel>], iteration_bounds = array<i64: 2, 16>, scalar_prefetch = 0 : i64, scratch_operands = 11 : i64, tpu.core_type = #tpu.core_type<sc_vector_subcore>, window_params = [{transform_indices = #map}, {transform_indices = #map}, {transform_indices = #map}, {transform_indices = #map}, {transform_indices = #map1}]} {
    %mul3A = arith.constant 16 : i32
    %mul3A_0 = arith.muli %arg0, %mul3A : i32
    %add3A = arith.addi %mul3A_0, %arg1 : i32
    %mul3A_1 = arith.constant 80 : i32
    %mul3A_2 = arith.muli %add3A, %mul3A_1 : i32
    %dma_start3A = arith.constant 0 : i32
    %dma_start3A_3 = tpu.memref_slice %arg3[%mul3A_2, %dma_start3A] : memref<2560x128xi32, #tpu.memory_space<hbm>> -> memref<80x128xi32, #tpu.memory_space<hbm>>
    %dma_start3A_4 = arith.constant 0 : i32
    %dma_start3A_5 = tpu.memref_slice %arg3[%mul3A_2, %dma_start3A_4] : memref<2560x128xi32, #tpu.memory_space<hbm>> -> memref<80x128xi32, #tpu.memory_space<hbm>>
    tpu.enqueue_dma source(%dma_start3A_5 : memref<80x128xi32, #tpu.memory_space<hbm>>) target(%arg7 : memref<80x128xi32, #tpu.memory_space<vmem>>) target_semaphore(%arg17 : memref<!tpu.dma_semaphore, #tpu.memory_space<semaphore_mem>>)
    %lt3A = arith.constant 15 : i32
    %lt3A_6 = arith.cmpi slt, %arg1, %lt3A : i32
    %convert_element_type3A = arith.extui %lt3A_6 : i1 to i32
    %cond3A = arith.constant 0 : i32
    %cond3A_7 = arith.cmpi ne, %convert_element_type3A, %cond3A : i32
    scf.if %cond3A_7 {
      %mul3A_46 = arith.constant 640 : i32
      %mul3A_47 = arith.muli %arg1, %mul3A_46 : i32
      "tpu.region"() ({
        %run_scoped3A = tpu.sem_alloc : memref<!tpu.dma_semaphore, #tpu.memory_space<semaphore_mem>>
        %dma_start3A_48 = arith.constant 0 : i32
        %dma_start3A_49 = tpu.memref_slice %arg12[%mul3A_47, %dma_start3A_48] : memref<10128x128xf32, #tpu.memory_space<vmem_shared>> -> memref<640x128xf32, #tpu.memory_space<vmem_shared>>
        %dma_start3A_50 = arith.constant 0 : i32
        %dma_start3A_51 = tpu.memref_slice %arg5[%mul3A_47, %dma_start3A_50] : memref<10000x128xf32, #tpu.memory_space<hbm>> -> memref<640x128xf32, #tpu.memory_space<hbm>>
        tpu.enqueue_dma source(%dma_start3A_51 : memref<640x128xf32, #tpu.memory_space<hbm>>) target(%dma_start3A_49 : memref<640x128xf32, #tpu.memory_space<vmem_shared>>) target_semaphore(%run_scoped3A : memref<!tpu.dma_semaphore, #tpu.memory_space<semaphore_mem>>)
        %dma_wait3A_52 = arith.constant 0 : i32
        %dma_wait3A_53 = tpu.memref_slice %arg12[%mul3A_47, %dma_wait3A_52] : memref<10128x128xf32, #tpu.memory_space<vmem_shared>> -> memref<640x128xf32, #tpu.memory_space<vmem_shared>>
        %dma_wait3A_54 = arith.constant 0 : i32
        %dma_wait3A_55 = tpu.memref_slice %arg5[%mul3A_47, %dma_wait3A_54] : memref<10000x128xf32, #tpu.memory_space<hbm>> -> memref<640x128xf32, #tpu.memory_space<hbm>>
        tpu.wait_dma2 semaphore(%run_scoped3A : memref<!tpu.dma_semaphore, #tpu.memory_space<semaphore_mem>>) src(%dma_wait3A_55 : memref<640x128xf32, #tpu.memory_space<hbm>>) dst(%dma_wait3A_53 : memref<640x128xf32, #tpu.memory_space<vmem_shared>>)
        tpu.yield
      }) : () -> ()
    } else {
    }
    %eq3A = arith.constant 15 : i32
    %eq3A_8 = arith.cmpi eq, %arg1, %eq3A : i32
    %convert_element_type3A_9 = arith.extui %eq3A_8 : i1 to i32
    %cond3A_10 = arith.constant 0 : i32
    %cond3A_11 = arith.cmpi ne, %convert_element_type3A_9, %cond3A_10 : i32
    scf.if %cond3A_11 {
      "tpu.region"() ({
        %run_scoped3A = tpu.sem_alloc : memref<!tpu.dma_semaphore, #tpu.memory_space<semaphore_mem>>
        %dma_start3A_46 = arith.constant 9600 : i32
        %dma_start3A_47 = arith.constant 0 : i32
        %dma_start3A_48 = tpu.memref_slice %arg12[%dma_start3A_46, %dma_start3A_47] : memref<10128x128xf32, #tpu.memory_space<vmem_shared>> -> memref<400x128xf32, #tpu.memory_space<vmem_shared>>
        %dma_start3A_49 = arith.constant 9600 : i32
        %dma_start3A_50 = arith.constant 0 : i32
        %dma_start3A_51 = tpu.memref_slice %arg5[%dma_start3A_49, %dma_start3A_50] : memref<10000x128xf32, #tpu.memory_space<hbm>> -> memref<400x128xf32, #tpu.memory_space<hbm>>
        tpu.enqueue_dma source(%dma_start3A_51 : memref<400x128xf32, #tpu.memory_space<hbm>>) target(%dma_start3A_48 : memref<400x128xf32, #tpu.memory_space<vmem_shared>>) target_semaphore(%run_scoped3A : memref<!tpu.dma_semaphore, #tpu.memory_space<semaphore_mem>>)
        %dma_wait3A_52 = arith.constant 9600 : i32
        %dma_wait3A_53 = arith.constant 0 : i32
        %dma_wait3A_54 = tpu.memref_slice %arg12[%dma_wait3A_52, %dma_wait3A_53] : memref<10128x128xf32, #tpu.memory_space<vmem_shared>> -> memref<400x128xf32, #tpu.memory_space<vmem_shared>>
        %dma_wait3A_55 = arith.constant 9600 : i32
        %dma_wait3A_56 = arith.constant 0 : i32
        %dma_wait3A_57 = tpu.memref_slice %arg5[%dma_wait3A_55, %dma_wait3A_56] : memref<10000x128xf32, #tpu.memory_space<hbm>> -> memref<400x128xf32, #tpu.memory_space<hbm>>
        tpu.wait_dma2 semaphore(%run_scoped3A : memref<!tpu.dma_semaphore, #tpu.memory_space<semaphore_mem>>) src(%dma_wait3A_57 : memref<400x128xf32, #tpu.memory_space<hbm>>) dst(%dma_wait3A_54 : memref<400x128xf32, #tpu.memory_space<vmem_shared>>)
        tpu.yield
      }) : () -> ()
    } else {
    }
    %dma_wait3A = arith.constant 0 : i32
    %dma_wait3A_12 = tpu.memref_slice %arg3[%mul3A_2, %dma_wait3A] : memref<2560x128xi32, #tpu.memory_space<hbm>> -> memref<80x128xi32, #tpu.memory_space<hbm>>
    %dma_wait3A_13 = arith.constant 0 : i32
    %dma_wait3A_14 = tpu.memref_slice %arg3[%mul3A_2, %dma_wait3A_13] : memref<2560x128xi32, #tpu.memory_space<hbm>> -> memref<80x128xi32, #tpu.memory_space<hbm>>
    tpu.wait_dma2 semaphore(%arg17 : memref<!tpu.dma_semaphore, #tpu.memory_space<semaphore_mem>>) src(%dma_wait3A_14 : memref<80x128xi32, #tpu.memory_space<hbm>>) dst(%arg7 : memref<80x128xi32, #tpu.memory_space<vmem>>)
    %barrier3A = arith.constant 0 : index
    tpu.barrier barrier_id(%barrier3A)
    %add3A_15 = arith.constant 0 : i32
    %add3A_16 = arith.addi %mul3A_2, %add3A_15 : i32
    %dma_start3A_17 = arith.constant 0 : i32
    %dma_start3A_18 = tpu.memref_slice %arg4[%add3A_16, %dma_start3A_17] : memref<2560x128xi32, #tpu.memory_space<hbm>> -> memref<1x128xi32, #tpu.memory_space<hbm>>
    %dma_start3A_19 = tpu.memref_squeeze %dma_start3A_18 : memref<1x128xi32, #tpu.memory_space<hbm>> -> memref<128xi32, #tpu.memory_space<hbm>>
    %dma_start3A_20 = arith.constant 0 : i32
    %dma_start3A_21 = tpu.memref_slice %arg4[%add3A_16, %dma_start3A_20] : memref<2560x128xi32, #tpu.memory_space<hbm>> -> memref<1x128xi32, #tpu.memory_space<hbm>>
    %dma_start3A_22 = tpu.memref_squeeze %dma_start3A_21 : memref<1x128xi32, #tpu.memory_space<hbm>> -> memref<128xi32, #tpu.memory_space<hbm>>
    tpu.enqueue_dma source(%dma_start3A_22 : memref<128xi32, #tpu.memory_space<hbm>>) target(%arg8 : memref<128xi32, #tpu.memory_space<vmem>>) target_semaphore(%arg15 : memref<!tpu.dma_semaphore, #tpu.memory_space<semaphore_mem>>)
    %dma_start3A_23 = arith.constant 0 : i32
    %dma_start3A_24 = arith.constant 0 : i32
    %dma_start3A_25 = tpu.memref_slice %arg7[%dma_start3A_23, %dma_start3A_24] : memref<80x128xi32, #tpu.memory_space<vmem>> -> memref<1x128xi32, #tpu.memory_space<vmem>>
    %dma_start3A_26 = tpu.memref_squeeze %dma_start3A_25 : memref<1x128xi32, #tpu.memory_space<vmem>> -> memref<128xi32, #tpu.memory_space<vmem>>
    %dma_start3A_27 = arith.constant 0 : i32
    %dma_start3A_28 = arith.constant 0 : i32
    %dma_start3A_29 = tpu.memref_slice %arg2[%dma_start3A_27, %dma_start3A_28] : memref<10000x128xf32, #tpu.memory_space<hbm>> -> memref<10000x128xf32, #tpu.memory_space<hbm>>
    tpu.enqueue_indirect_dma source(%dma_start3A_29 : memref<10000x128xf32, #tpu.memory_space<hbm>>) target(%arg10 : memref<128x128xf32, #tpu.memory_space<vmem>>) offsets(%dma_start3A_26 : memref<128xi32, #tpu.memory_space<vmem>>) semaphore(%arg13 : memref<!tpu.dma_semaphore, #tpu.memory_space<semaphore_mem>>)
    %scan3A = arith.constant 0 : i32
    %scan3A_30 = arith.constant 0 : i32
    %scan3A_31 = arith.constant 40 : i32
    %scan3A_32 = arith.addi %scan3A_30, %scan3A_31 : i32
    %scan3A_33 = arith.constant 1 : i32
    scf.for %scan3A_46 = %scan3A_30 to %scan3A_32 step %scan3A_33  : i32 {
      %mul3A_47 = arith.constant 2 : i32
      %mul3A_48 = arith.muli %mul3A_47, %scan3A_46 : i32
      %add3A_49 = arith.constant 1 : i32
      %add3A_50 = arith.addi %mul3A_48, %add3A_49 : i32
      %mul3A_51 = arith.constant 2 : i32
      %mul3A_52 = arith.muli %mul3A_51, %scan3A_46 : i32
      %add3A_53 = arith.constant 2 : i32
      %add3A_54 = arith.addi %mul3A_52, %add3A_53 : i32
      %add3A_55 = arith.addi %mul3A_2, %add3A_50 : i32
      %dma_start3A_56 = arith.constant 0 : i32
      %dma_start3A_57 = tpu.memref_slice %arg4[%add3A_55, %dma_start3A_56] : memref<2560x128xi32, #tpu.memory_space<hbm>> -> memref<1x128xi32, #tpu.memory_space<hbm>>
      %dma_start3A_58 = tpu.memref_squeeze %dma_start3A_57 : memref<1x128xi32, #tpu.memory_space<hbm>> -> memref<128xi32, #tpu.memory_space<hbm>>
      %dma_start3A_59 = arith.constant 0 : i32
      %dma_start3A_60 = tpu.memref_slice %arg4[%add3A_55, %dma_start3A_59] : memref<2560x128xi32, #tpu.memory_space<hbm>> -> memref<1x128xi32, #tpu.memory_space<hbm>>
      %dma_start3A_61 = tpu.memref_squeeze %dma_start3A_60 : memref<1x128xi32, #tpu.memory_space<hbm>> -> memref<128xi32, #tpu.memory_space<hbm>>
      tpu.enqueue_dma source(%dma_start3A_61 : memref<128xi32, #tpu.memory_space<hbm>>) target(%arg9 : memref<128xi32, #tpu.memory_space<vmem>>) target_semaphore(%arg16 : memref<!tpu.dma_semaphore, #tpu.memory_space<semaphore_mem>>)
      %dma_start3A_62 = arith.constant 0 : i32
      %dma_start3A_63 = tpu.memref_slice %arg7[%add3A_50, %dma_start3A_62] : memref<80x128xi32, #tpu.memory_space<vmem>> -> memref<1x128xi32, #tpu.memory_space<vmem>>
      %dma_start3A_64 = tpu.memref_squeeze %dma_start3A_63 : memref<1x128xi32, #tpu.memory_space<vmem>> -> memref<128xi32, #tpu.memory_space<vmem>>
      %dma_start3A_65 = arith.constant 0 : i32
      %dma_start3A_66 = arith.constant 0 : i32
      %dma_start3A_67 = tpu.memref_slice %arg2[%dma_start3A_65, %dma_start3A_66] : memref<10000x128xf32, #tpu.memory_space<hbm>> -> memref<10000x128xf32, #tpu.memory_space<hbm>>
      tpu.enqueue_indirect_dma source(%dma_start3A_67 : memref<10000x128xf32, #tpu.memory_space<hbm>>) target(%arg11 : memref<128x128xf32, #tpu.memory_space<vmem>>) offsets(%dma_start3A_64 : memref<128xi32, #tpu.memory_space<vmem>>) semaphore(%arg14 : memref<!tpu.dma_semaphore, #tpu.memory_space<semaphore_mem>>)
      %dma_wait3A_68 = arith.constant 0 : i32
      %dma_wait3A_69 = arith.constant 0 : i32
      %dma_wait3A_70 = tpu.memref_slice %arg7[%dma_wait3A_68, %dma_wait3A_69] : memref<80x128xi32, #tpu.memory_space<vmem>> -> memref<1x128xi32, #tpu.memory_space<vmem>>
      %dma_wait3A_71 = tpu.memref_squeeze %dma_wait3A_70 : memref<1x128xi32, #tpu.memory_space<vmem>> -> memref<128xi32, #tpu.memory_space<vmem>>
      %dma_wait3A_72 = arith.constant 0 : i32
      %dma_wait3A_73 = arith.constant 0 : i32
      %dma_wait3A_74 = tpu.memref_slice %arg2[%dma_wait3A_72, %dma_wait3A_73] : memref<10000x128xf32, #tpu.memory_space<hbm>> -> memref<10000x128xf32, #tpu.memory_space<hbm>>
      tpu.wait_indirect_dma semaphore(%arg13 : memref<!tpu.dma_semaphore, #tpu.memory_space<semaphore_mem>>) src(%dma_wait3A_74 : memref<10000x128xf32, #tpu.memory_space<hbm>>) dst(%arg10 : memref<128x128xf32, #tpu.memory_space<vmem>>)
      %dma_wait3A_75 = arith.constant 0 : i32
      %dma_wait3A_76 = tpu.memref_slice %arg4[%mul3A_2, %dma_wait3A_75] : memref<2560x128xi32, #tpu.memory_space<hbm>> -> memref<1x128xi32, #tpu.memory_space<hbm>>
      %dma_wait3A_77 = tpu.memref_squeeze %dma_wait3A_76 : memref<1x128xi32, #tpu.memory_space<hbm>> -> memref<128xi32, #tpu.memory_space<hbm>>
      %dma_wait3A_78 = arith.constant 0 : i32
      %dma_wait3A_79 = tpu.memref_slice %arg4[%mul3A_2, %dma_wait3A_78] : memref<2560x128xi32, #tpu.memory_space<hbm>> -> memref<1x128xi32, #tpu.memory_space<hbm>>
      %dma_wait3A_80 = tpu.memref_squeeze %dma_wait3A_79 : memref<1x128xi32, #tpu.memory_space<hbm>> -> memref<128xi32, #tpu.memory_space<hbm>>
      tpu.wait_dma2 semaphore(%arg15 : memref<!tpu.dma_semaphore, #tpu.memory_space<semaphore_mem>>) src(%dma_wait3A_80 : memref<128xi32, #tpu.memory_space<hbm>>) dst(%arg8 : memref<128xi32, #tpu.memory_space<vmem>>)
      "tpu.region"() ({
        %run_scoped3A = tpu.sem_alloc : memref<!tpu.dma_semaphore, #tpu.memory_space<semaphore_mem>>
        %dma_start3A_99 = arith.constant 0 : i32
        %dma_start3A_100 = arith.constant 0 : i32
        %dma_start3A_101 = tpu.memref_slice %arg12[%dma_start3A_99, %dma_start3A_100] : memref<10128x128xf32, #tpu.memory_space<vmem_shared>> -> memref<10128x128xf32, #tpu.memory_space<vmem_shared>>
        tpu.enqueue_indirect_dma source(%arg10 : memref<128x128xf32, #tpu.memory_space<vmem>>) target(%dma_start3A_101 : memref<10128x128xf32, #tpu.memory_space<vmem_shared>>) offsets(%arg8 : memref<128xi32, #tpu.memory_space<vmem>>) semaphore(%run_scoped3A : memref<!tpu.dma_semaphore, #tpu.memory_space<semaphore_mem>>) {add = true}
        %dma_wait3A_102 = arith.constant 0 : i32
        %dma_wait3A_103 = arith.constant 0 : i32
        %dma_wait3A_104 = tpu.memref_slice %arg12[%dma_wait3A_102, %dma_wait3A_103] : memref<10128x128xf32, #tpu.memory_space<vmem_shared>> -> memref<10128x128xf32, #tpu.memory_space<vmem_shared>>
        tpu.wait_indirect_dma semaphore(%run_scoped3A : memref<!tpu.dma_semaphore, #tpu.memory_space<semaphore_mem>>) src(%arg10 : memref<128x128xf32, #tpu.memory_space<vmem>>) dst(%dma_wait3A_104 : memref<10128x128xf32, #tpu.memory_space<vmem_shared>>)
        tpu.yield
      }) : () -> ()
      %lt3A_81 = arith.constant 80 : i32
      %lt3A_82 = arith.cmpi slt, %add3A_54, %lt3A_81 : i32
      %convert_element_type3A_83 = arith.extui %lt3A_82 : i1 to i32
      %cond3A_84 = arith.constant 0 : i32
      %cond3A_85 = arith.cmpi ne, %convert_element_type3A_83, %cond3A_84 : i32
      scf.if %cond3A_85 {
        %add3A_99 = arith.addi %mul3A_2, %add3A_54 : i32
        %dma_start3A_100 = arith.constant 0 : i32
        %dma_start3A_101 = tpu.memref_slice %arg4[%add3A_99, %dma_start3A_100] : memref<2560x128xi32, #tpu.memory_space<hbm>> -> memref<1x128xi32, #tpu.memory_space<hbm>>
        %dma_start3A_102 = tpu.memref_squeeze %dma_start3A_101 : memref<1x128xi32, #tpu.memory_space<hbm>> -> memref<128xi32, #tpu.memory_space<hbm>>
        %dma_start3A_103 = arith.constant 0 : i32
        %dma_start3A_104 = tpu.memref_slice %arg4[%add3A_99, %dma_start3A_103] : memref<2560x128xi32, #tpu.memory_space<hbm>> -> memref<1x128xi32, #tpu.memory_space<hbm>>
        %dma_start3A_105 = tpu.memref_squeeze %dma_start3A_104 : memref<1x128xi32, #tpu.memory_space<hbm>> -> memref<128xi32, #tpu.memory_space<hbm>>
        tpu.enqueue_dma source(%dma_start3A_105 : memref<128xi32, #tpu.memory_space<hbm>>) target(%arg8 : memref<128xi32, #tpu.memory_space<vmem>>) target_semaphore(%arg15 : memref<!tpu.dma_semaphore, #tpu.memory_space<semaphore_mem>>)
        %dma_start3A_106 = arith.constant 0 : i32
        %dma_start3A_107 = tpu.memref_slice %arg7[%add3A_54, %dma_start3A_106] : memref<80x128xi32, #tpu.memory_space<vmem>> -> memref<1x128xi32, #tpu.memory_space<vmem>>
        %dma_start3A_108 = tpu.memref_squeeze %dma_start3A_107 : memref<1x128xi32, #tpu.memory_space<vmem>> -> memref<128xi32, #tpu.memory_space<vmem>>
        %dma_start3A_109 = arith.constant 0 : i32
        %dma_start3A_110 = arith.constant 0 : i32
        %dma_start3A_111 = tpu.memref_slice %arg2[%dma_start3A_109, %dma_start3A_110] : memref<10000x128xf32, #tpu.memory_space<hbm>> -> memref<10000x128xf32, #tpu.memory_space<hbm>>
        tpu.enqueue_indirect_dma source(%dma_start3A_111 : memref<10000x128xf32, #tpu.memory_space<hbm>>) target(%arg10 : memref<128x128xf32, #tpu.memory_space<vmem>>) offsets(%dma_start3A_108 : memref<128xi32, #tpu.memory_space<vmem>>) semaphore(%arg13 : memref<!tpu.dma_semaphore, #tpu.memory_space<semaphore_mem>>)
      } else {
      }
      %dma_wait3A_86 = arith.constant 0 : i32
      %dma_wait3A_87 = arith.constant 0 : i32
      %dma_wait3A_88 = tpu.memref_slice %arg7[%dma_wait3A_86, %dma_wait3A_87] : memref<80x128xi32, #tpu.memory_space<vmem>> -> memref<1x128xi32, #tpu.memory_space<vmem>>
      %dma_wait3A_89 = tpu.memref_squeeze %dma_wait3A_88 : memref<1x128xi32, #tpu.memory_space<vmem>> -> memref<128xi32, #tpu.memory_space<vmem>>
      %dma_wait3A_90 = arith.constant 0 : i32
      %dma_wait3A_91 = arith.constant 0 : i32
      %dma_wait3A_92 = tpu.memref_slice %arg2[%dma_wait3A_90, %dma_wait3A_91] : memref<10000x128xf32, #tpu.memory_space<hbm>> -> memref<10000x128xf32, #tpu.memory_space<hbm>>
      tpu.wait_indirect_dma semaphore(%arg14 : memref<!tpu.dma_semaphore, #tpu.memory_space<semaphore_mem>>) src(%dma_wait3A_92 : memref<10000x128xf32, #tpu.memory_space<hbm>>) dst(%arg11 : memref<128x128xf32, #tpu.memory_space<vmem>>)
      %dma_wait3A_93 = arith.constant 0 : i32
      %dma_wait3A_94 = tpu.memref_slice %arg4[%mul3A_2, %dma_wait3A_93] : memref<2560x128xi32, #tpu.memory_space<hbm>> -> memref<1x128xi32, #tpu.memory_space<hbm>>
      %dma_wait3A_95 = tpu.memref_squeeze %dma_wait3A_94 : memref<1x128xi32, #tpu.memory_space<hbm>> -> memref<128xi32, #tpu.memory_space<hbm>>
      %dma_wait3A_96 = arith.constant 0 : i32
      %dma_wait3A_97 = tpu.memref_slice %arg4[%mul3A_2, %dma_wait3A_96] : memref<2560x128xi32, #tpu.memory_space<hbm>> -> memref<1x128xi32, #tpu.memory_space<hbm>>
      %dma_wait3A_98 = tpu.memref_squeeze %dma_wait3A_97 : memref<1x128xi32, #tpu.memory_space<hbm>> -> memref<128xi32, #tpu.memory_space<hbm>>
      tpu.wait_dma2 semaphore(%arg16 : memref<!tpu.dma_semaphore, #tpu.memory_space<semaphore_mem>>) src(%dma_wait3A_98 : memref<128xi32, #tpu.memory_space<hbm>>) dst(%arg9 : memref<128xi32, #tpu.memory_space<vmem>>)
      "tpu.region"() ({
        %run_scoped3A = tpu.sem_alloc : memref<!tpu.dma_semaphore, #tpu.memory_space<semaphore_mem>>
        %dma_start3A_99 = arith.constant 0 : i32
        %dma_start3A_100 = arith.constant 0 : i32
        %dma_start3A_101 = tpu.memref_slice %arg12[%dma_start3A_99, %dma_start3A_100] : memref<10128x128xf32, #tpu.memory_space<vmem_shared>> -> memref<10128x128xf32, #tpu.memory_space<vmem_shared>>
        tpu.enqueue_indirect_dma source(%arg11 : memref<128x128xf32, #tpu.memory_space<vmem>>) target(%dma_start3A_101 : memref<10128x128xf32, #tpu.memory_space<vmem_shared>>) offsets(%arg9 : memref<128xi32, #tpu.memory_space<vmem>>) semaphore(%run_scoped3A : memref<!tpu.dma_semaphore, #tpu.memory_space<semaphore_mem>>) {add = true}
        %dma_wait3A_102 = arith.constant 0 : i32
        %dma_wait3A_103 = arith.constant 0 : i32
        %dma_wait3A_104 = tpu.memref_slice %arg12[%dma_wait3A_102, %dma_wait3A_103] : memref<10128x128xf32, #tpu.memory_space<vmem_shared>> -> memref<10128x128xf32, #tpu.memory_space<vmem_shared>>
        tpu.wait_indirect_dma semaphore(%run_scoped3A : memref<!tpu.dma_semaphore, #tpu.memory_space<semaphore_mem>>) src(%arg11 : memref<128x128xf32, #tpu.memory_space<vmem>>) dst(%dma_wait3A_104 : memref<10128x128xf32, #tpu.memory_space<vmem_shared>>)
        tpu.yield
      }) : () -> ()
    }
    %scan3A_34 = arith.constant 40 : i32
    %barrier3A_35 = arith.constant 0 : index
    tpu.barrier barrier_id(%barrier3A_35)
    %lt3A_36 = arith.constant 15 : i32
    %lt3A_37 = arith.cmpi slt, %arg1, %lt3A_36 : i32
    %convert_element_type3A_38 = arith.extui %lt3A_37 : i1 to i32
    %cond3A_39 = arith.constant 0 : i32
    %cond3A_40 = arith.cmpi ne, %convert_element_type3A_38, %cond3A_39 : i32
    scf.if %cond3A_40 {
      %mul3A_46 = arith.constant 640 : i32
      %mul3A_47 = arith.muli %arg1, %mul3A_46 : i32
      "tpu.region"() ({
        %run_scoped3A = tpu.sem_alloc : memref<!tpu.dma_semaphore, #tpu.memory_space<semaphore_mem>>
        %dma_start3A_48 = arith.constant 0 : i32
        %dma_start3A_49 = tpu.memref_slice %arg6[%arg0, %mul3A_47, %dma_start3A_48] : memref<2x10000x128xf32, #tpu.memory_space<hbm>> -> memref<1x640x128xf32, #tpu.memory_space<hbm>>
        %dma_start3A_50 = tpu.memref_squeeze %dma_start3A_49 : memref<1x640x128xf32, #tpu.memory_space<hbm>> -> memref<640x128xf32, #tpu.memory_space<hbm>>
        %dma_start3A_51 = arith.constant 0 : i32
        %dma_start3A_52 = tpu.memref_slice %arg12[%mul3A_47, %dma_start3A_51] : memref<10128x128xf32, #tpu.memory_space<vmem_shared>> -> memref<640x128xf32, #tpu.memory_space<vmem_shared>>
        tpu.enqueue_dma source(%dma_start3A_52 : memref<640x128xf32, #tpu.memory_space<vmem_shared>>) target(%dma_start3A_50 : memref<640x128xf32, #tpu.memory_space<hbm>>) target_semaphore(%run_scoped3A : memref<!tpu.dma_semaphore, #tpu.memory_space<semaphore_mem>>)
        %dma_wait3A_53 = arith.constant 0 : i32
        %dma_wait3A_54 = tpu.memref_slice %arg6[%arg0, %mul3A_47, %dma_wait3A_53] : memref<2x10000x128xf32, #tpu.memory_space<hbm>> -> memref<1x640x128xf32, #tpu.memory_space<hbm>>
        %dma_wait3A_55 = tpu.memref_squeeze %dma_wait3A_54 : memref<1x640x128xf32, #tpu.memory_space<hbm>> -> memref<640x128xf32, #tpu.memory_space<hbm>>
        %dma_wait3A_56 = arith.constant 0 : i32
        %dma_wait3A_57 = tpu.memref_slice %arg12[%mul3A_47, %dma_wait3A_56] : memref<10128x128xf32, #tpu.memory_space<vmem_shared>> -> memref<640x128xf32, #tpu.memory_space<vmem_shared>>
        tpu.wait_dma2 semaphore(%run_scoped3A : memref<!tpu.dma_semaphore, #tpu.memory_space<semaphore_mem>>) src(%dma_wait3A_57 : memref<640x128xf32, #tpu.memory_space<vmem_shared>>) dst(%dma_wait3A_55 : memref<640x128xf32, #tpu.memory_space<hbm>>)
        tpu.yield
      }) : () -> ()
    } else {
    }
    %eq3A_41 = arith.constant 15 : i32
    %eq3A_42 = arith.cmpi eq, %arg1, %eq3A_41 : i32
    %convert_element_type3A_43 = arith.extui %eq3A_42 : i1 to i32
    %cond3A_44 = arith.constant 0 : i32
    %cond3A_45 = arith.cmpi ne, %convert_element_type3A_43, %cond3A_44 : i32
    scf.if %cond3A_45 {
      "tpu.region"() ({
        %run_scoped3A = tpu.sem_alloc : memref<!tpu.dma_semaphore, #tpu.memory_space<semaphore_mem>>
        %dma_start3A_46 = arith.constant 9600 : i32
        %dma_start3A_47 = arith.constant 0 : i32
        %dma_start3A_48 = tpu.memref_slice %arg6[%arg0, %dma_start3A_46, %dma_start3A_47] : memref<2x10000x128xf32, #tpu.memory_space<hbm>> -> memref<1x400x128xf32, #tpu.memory_space<hbm>>
        %dma_start3A_49 = tpu.memref_squeeze %dma_start3A_48 : memref<1x400x128xf32, #tpu.memory_space<hbm>> -> memref<400x128xf32, #tpu.memory_space<hbm>>
        %dma_start3A_50 = arith.constant 9600 : i32
        %dma_start3A_51 = arith.constant 0 : i32
        %dma_start3A_52 = tpu.memref_slice %arg12[%dma_start3A_50, %dma_start3A_51] : memref<10128x128xf32, #tpu.memory_space<vmem_shared>> -> memref<400x128xf32, #tpu.memory_space<vmem_shared>>
        tpu.enqueue_dma source(%dma_start3A_52 : memref<400x128xf32, #tpu.memory_space<vmem_shared>>) target(%dma_start3A_49 : memref<400x128xf32, #tpu.memory_space<hbm>>) target_semaphore(%run_scoped3A : memref<!tpu.dma_semaphore, #tpu.memory_space<semaphore_mem>>)
        %dma_wait3A_53 = arith.constant 9600 : i32
        %dma_wait3A_54 = arith.constant 0 : i32
        %dma_wait3A_55 = tpu.memref_slice %arg6[%arg0, %dma_wait3A_53, %dma_wait3A_54] : memref<2x10000x128xf32, #tpu.memory_space<hbm>> -> memref<1x400x128xf32, #tpu.memory_space<hbm>>
        %dma_wait3A_56 = tpu.memref_squeeze %dma_wait3A_55 : memref<1x400x128xf32, #tpu.memory_space<hbm>> -> memref<400x128xf32, #tpu.memory_space<hbm>>
        %dma_wait3A_57 = arith.constant 9600 : i32
        %dma_wait3A_58 = arith.constant 0 : i32
        %dma_wait3A_59 = tpu.memref_slice %arg12[%dma_wait3A_57, %dma_wait3A_58] : memref<10128x128xf32, #tpu.memory_space<vmem_shared>> -> memref<400x128xf32, #tpu.memory_space<vmem_shared>>
        tpu.wait_dma2 semaphore(%run_scoped3A : memref<!tpu.dma_semaphore, #tpu.memory_space<semaphore_mem>>) src(%dma_wait3A_59 : memref<400x128xf32, #tpu.memory_space<vmem_shared>>) dst(%dma_wait3A_56 : memref<400x128xf32, #tpu.memory_space<hbm>>)
        tpu.yield
      }) : () -> ()
    } else {
    }
    return
  }
}

module attributes {stable_mosaic.version = 14 : i64} {
  func.func @_prescale_body(%arg0: i32, %arg1: memref<2x2000x1xf32, #tpu.memory_space<vmem>>, %arg2: memref<2000x128xf32, #tpu.memory_space<vmem>>, %arg3: memref<2000x128xf32, #tpu.memory_space<vmem>>) attributes {dimension_semantics = [#tpu.dimension_semantics<arbitrary>], iteration_bounds = array<i64: 5>, scalar_prefetch = 0 : i64, scratch_operands = 0 : i64, tpu.core_type = #tpu.core_type<tc>, window_params = [{transform_indices = @transform_0, window_bounds = array<i64: 2, 2000, 1>}, {transform_indices = @transform_1, window_bounds = array<i64: 2000, 128>}, {transform_indices = @transform_2, window_bounds = array<i64: 2000, 128>}]} {
    %get3A = arith.constant 0 : index
    %get3A_0 = arith.constant 0 : index
    %get3A_1 = arith.constant 0 : index
    %get3A_2 = vector.load %arg1[%get3A, %get3A_0, %get3A_1] : memref<2x2000x1xf32, #tpu.memory_space<vmem>>, vector<1x2000x1xf32>
    %get3A_3 = vector.shape_cast %get3A_2 : vector<1x2000x1xf32> to vector<2000x1xf32>
    %get3A_4 = arith.constant 1 : index
    %get3A_5 = arith.constant 0 : index
    %get3A_6 = arith.constant 0 : index
    %get3A_7 = vector.load %arg1[%get3A_4, %get3A_5, %get3A_6] : memref<2x2000x1xf32, #tpu.memory_space<vmem>>, vector<1x2000x1xf32>
    %get3A_8 = vector.shape_cast %get3A_7 : vector<1x2000x1xf32> to vector<2000x1xf32>
    %add3A = arith.addf %get3A_3, %get3A_8 : vector<2000x1xf32>
    %max3A = arith.constant 1.000000e+00 : f32
    %max3A_9 = vector.broadcast %max3A : f32 to vector<2000x1xf32>
    %max3A_10 = arith.maximumf %add3A, %max3A_9 : vector<2000x1xf32>
    %get3A_11 = arith.constant 0 : index
    %get3A_12 = arith.constant 0 : index
    %get3A_13 = vector.load %arg2[%get3A_11, %get3A_12] : memref<2000x128xf32, #tpu.memory_space<vmem>>, vector<2000x128xf32>
    %rsqrt3A = math.rsqrt %max3A_10 : vector<2000x1xf32>
    %mul3A = vector.broadcast %rsqrt3A : vector<2000x1xf32> to vector<2000x128xf32>
    %mul3A_14 = arith.mulf %get3A_13, %mul3A : vector<2000x128xf32>
    %swap3A = arith.constant 0 : index
    %swap3A_15 = arith.constant 0 : index
    %swap3A_16 = vector.load %arg3[%swap3A, %swap3A_15] : memref<2000x128xf32, #tpu.memory_space<vmem>>, vector<2000x128xf32>
    tpu.vector_store %arg3[%swap3A, %swap3A_15], %mul3A_14 {strides = array<i32>} : memref<2000x128xf32, #tpu.memory_space<vmem>>, vector<2000x128xf32>,
    return
  }
  func.func @transform_0(%arg0: i32) -> (i32, i32, i32) {
    %c0_i32 = arith.constant 0 : i32
    %c0_i32_0 = arith.constant 0 : i32
    %c0_i32_1 = arith.constant 0 : i32
    return %c0_i32, %arg0, %c0_i32_0 : i32, i32, i32
  }
  func.func @transform_1(%arg0: i32) -> (i32, i32) {
    %c0_i32 = arith.constant 0 : i32
    %c0_i32_0 = arith.constant 0 : i32
    return %arg0, %c0_i32 : i32, i32
  }
  func.func @transform_2(%arg0: i32) -> (i32, i32) {
    %c0_i32 = arith.constant 0 : i32
    %c0_i32_0 = arith.constant 0 : i32
    return %arg0, %c0_i32 : i32, i32
  }
}

module attributes {stable_mosaic.version = 14 : i64} {
  func.func @_combine_body(%arg0: i32, %arg1: memref<2x2000x1xf32, #tpu.memory_space<vmem>>, %arg2: memref<2x2000x128xf32, #tpu.memory_space<vmem>>, %arg3: memref<2000x128xf32, #tpu.memory_space<vmem>>) attributes {dimension_semantics = [#tpu.dimension_semantics<arbitrary>], iteration_bounds = array<i64: 5>, scalar_prefetch = 0 : i64, scratch_operands = 0 : i64, tpu.core_type = #tpu.core_type<tc>, window_params = [{transform_indices = @transform_0, window_bounds = array<i64: 2, 2000, 1>}, {transform_indices = @transform_1, window_bounds = array<i64: 2, 2000, 128>}, {transform_indices = @transform_2, window_bounds = array<i64: 2000, 128>}]} {
    %get3A = arith.constant 0 : index
    %get3A_0 = arith.constant 0 : index
    %get3A_1 = arith.constant 0 : index
    %get3A_2 = vector.load %arg1[%get3A, %get3A_0, %get3A_1] : memref<2x2000x1xf32, #tpu.memory_space<vmem>>, vector<1x2000x1xf32>
    %get3A_3 = vector.shape_cast %get3A_2 : vector<1x2000x1xf32> to vector<2000x1xf32>
    %get3A_4 = arith.constant 1 : index
    %get3A_5 = arith.constant 0 : index
    %get3A_6 = arith.constant 0 : index
    %get3A_7 = vector.load %arg1[%get3A_4, %get3A_5, %get3A_6] : memref<2x2000x1xf32, #tpu.memory_space<vmem>>, vector<1x2000x1xf32>
    %get3A_8 = vector.shape_cast %get3A_7 : vector<1x2000x1xf32> to vector<2000x1xf32>
    %add3A = arith.addf %get3A_3, %get3A_8 : vector<2000x1xf32>
    %max3A = arith.constant 1.000000e+00 : f32
    %max3A_9 = vector.broadcast %max3A : f32 to vector<2000x1xf32>
    %max3A_10 = arith.maximumf %add3A, %max3A_9 : vector<2000x1xf32>
    %div3A = arith.constant 1.000000e+00 : f32
    %div3A_11 = vector.broadcast %div3A : f32 to vector<2000x1xf32>
    %div3A_12 = arith.divf %div3A_11, %max3A_10 : vector<2000x1xf32>
    %rsqrt3A = math.rsqrt %max3A_10 : vector<2000x1xf32>
    %jit3A = arith.constant true
    %select_n3A = arith.select %jit3A, %div3A_12, %rsqrt3A : vector<2000x1xf32>
    %get3A_13 = arith.constant 0 : index
    %get3A_14 = arith.constant 0 : index
    %get3A_15 = arith.constant 0 : index
    %get3A_16 = vector.load %arg2[%get3A_13, %get3A_14, %get3A_15] : memref<2x2000x128xf32, #tpu.memory_space<vmem>>, vector<1x2000x128xf32>
    %get3A_17 = vector.shape_cast %get3A_16 : vector<1x2000x128xf32> to vector<2000x128xf32>
    %get3A_18 = arith.constant 1 : index
    %get3A_19 = arith.constant 0 : index
    %get3A_20 = arith.constant 0 : index
    %get3A_21 = vector.load %arg2[%get3A_18, %get3A_19, %get3A_20] : memref<2x2000x128xf32, #tpu.memory_space<vmem>>, vector<1x2000x128xf32>
    %get3A_22 = vector.shape_cast %get3A_21 : vector<1x2000x128xf32> to vector<2000x128xf32>
    %add3A_23 = arith.addf %get3A_17, %get3A_22 : vector<2000x128xf32>
    %mul3A = vector.broadcast %select_n3A : vector<2000x1xf32> to vector<2000x128xf32>
    %mul3A_24 = arith.mulf %add3A_23, %mul3A : vector<2000x128xf32>
    %swap3A = arith.constant 0 : index
    %swap3A_25 = arith.constant 0 : index
    %swap3A_26 = vector.load %arg3[%swap3A, %swap3A_25] : memref<2000x128xf32, #tpu.memory_space<vmem>>, vector<2000x128xf32>
    tpu.vector_store %arg3[%swap3A, %swap3A_25], %mul3A_24 {strides = array<i32>} : memref<2000x128xf32, #tpu.memory_space<vmem>>, vector<2000x128xf32>,
    return
  }
  func.func @transform_0(%arg0: i32) -> (i32, i32, i32) {
    %c0_i32 = arith.constant 0 : i32
    %c0_i32_0 = arith.constant 0 : i32
    %c0_i32_1 = arith.constant 0 : i32
    return %c0_i32, %arg0, %c0_i32_0 : i32, i32, i32
  }
  func.func @transform_1(%arg0: i32) -> (i32, i32, i32) {
    %c0_i32 = arith.constant 0 : i32
    %c0_i32_0 = arith.constant 0 : i32
    %c0_i32_1 = arith.constant 0 : i32
    return %c0_i32, %arg0, %c0_i32_0 : i32, i32, i32
  }
  func.func @transform_2(%arg0: i32) -> (i32, i32) {
    %c0_i32 = arith.constant 0 : i32
    %c0_i32_0 = arith.constant 0 : i32
    return %arg0, %c0_i32 : i32, i32
  }
}

module attributes {stable_mosaic.version = 14 : i64} {
  func.func @_combine_body(%arg0: i32, %arg1: memref<2x2000x1xf32, #tpu.memory_space<vmem>>, %arg2: memref<2x2000x128xf32, #tpu.memory_space<vmem>>, %arg3: memref<2000x128xf32, #tpu.memory_space<vmem>>) attributes {dimension_semantics = [#tpu.dimension_semantics<arbitrary>], iteration_bounds = array<i64: 5>, scalar_prefetch = 0 : i64, scratch_operands = 0 : i64, tpu.core_type = #tpu.core_type<tc>, window_params = [{transform_indices = @transform_0, window_bounds = array<i64: 2, 2000, 1>}, {transform_indices = @transform_1, window_bounds = array<i64: 2, 2000, 128>}, {transform_indices = @transform_2, window_bounds = array<i64: 2000, 128>}]} {
    %get3A = arith.constant 0 : index
    %get3A_0 = arith.constant 0 : index
    %get3A_1 = arith.constant 0 : index
    %get3A_2 = vector.load %arg1[%get3A, %get3A_0, %get3A_1] : memref<2x2000x1xf32, #tpu.memory_space<vmem>>, vector<1x2000x1xf32>
    %get3A_3 = vector.shape_cast %get3A_2 : vector<1x2000x1xf32> to vector<2000x1xf32>
    %get3A_4 = arith.constant 1 : index
    %get3A_5 = arith.constant 0 : index
    %get3A_6 = arith.constant 0 : index
    %get3A_7 = vector.load %arg1[%get3A_4, %get3A_5, %get3A_6] : memref<2x2000x1xf32, #tpu.memory_space<vmem>>, vector<1x2000x1xf32>
    %get3A_8 = vector.shape_cast %get3A_7 : vector<1x2000x1xf32> to vector<2000x1xf32>
    %add3A = arith.addf %get3A_3, %get3A_8 : vector<2000x1xf32>
    %max3A = arith.constant 1.000000e+00 : f32
    %max3A_9 = vector.broadcast %max3A : f32 to vector<2000x1xf32>
    %max3A_10 = arith.maximumf %add3A, %max3A_9 : vector<2000x1xf32>
    %div3A = arith.constant 1.000000e+00 : f32
    %div3A_11 = vector.broadcast %div3A : f32 to vector<2000x1xf32>
    %div3A_12 = arith.divf %div3A_11, %max3A_10 : vector<2000x1xf32>
    %rsqrt3A = math.rsqrt %max3A_10 : vector<2000x1xf32>
    %jit3A = arith.constant false
    %select_n3A = arith.select %jit3A, %div3A_12, %rsqrt3A : vector<2000x1xf32>
    %get3A_13 = arith.constant 0 : index
    %get3A_14 = arith.constant 0 : index
    %get3A_15 = arith.constant 0 : index
    %get3A_16 = vector.load %arg2[%get3A_13, %get3A_14, %get3A_15] : memref<2x2000x128xf32, #tpu.memory_space<vmem>>, vector<1x2000x128xf32>
    %get3A_17 = vector.shape_cast %get3A_16 : vector<1x2000x128xf32> to vector<2000x128xf32>
    %get3A_18 = arith.constant 1 : index
    %get3A_19 = arith.constant 0 : index
    %get3A_20 = arith.constant 0 : index
    %get3A_21 = vector.load %arg2[%get3A_18, %get3A_19, %get3A_20] : memref<2x2000x128xf32, #tpu.memory_space<vmem>>, vector<1x2000x128xf32>
    %get3A_22 = vector.shape_cast %get3A_21 : vector<1x2000x128xf32> to vector<2000x128xf32>
    %add3A_23 = arith.addf %get3A_17, %get3A_22 : vector<2000x128xf32>
    %mul3A = vector.broadcast %select_n3A : vector<2000x1xf32> to vector<2000x128xf32>
    %mul3A_24 = arith.mulf %add3A_23, %mul3A : vector<2000x128xf32>
    %swap3A = arith.constant 0 : index
    %swap3A_25 = arith.constant 0 : index
    %swap3A_26 = vector.load %arg3[%swap3A, %swap3A_25] : memref<2000x128xf32, #tpu.memory_space<vmem>>, vector<2000x128xf32>
    tpu.vector_store %arg3[%swap3A, %swap3A_25], %mul3A_24 {strides = array<i32>} : memref<2000x128xf32, #tpu.memory_space<vmem>>, vector<2000x128xf32>,
    return
  }
  func.func @transform_0(%arg0: i32) -> (i32, i32, i32) {
    %c0_i32 = arith.constant 0 : i32
    %c0_i32_0 = arith.constant 0 : i32
    %c0_i32_1 = arith.constant 0 : i32
    return %c0_i32, %arg0, %c0_i32_0 : i32, i32, i32
  }
  func.func @transform_1(%arg0: i32) -> (i32, i32, i32) {
    %c0_i32 = arith.constant 0 : i32
    %c0_i32_0 = arith.constant 0 : i32
    %c0_i32_1 = arith.constant 0 : i32
    return %c0_i32, %arg0, %c0_i32_0 : i32, i32, i32
  }
  func.func @transform_2(%arg0: i32) -> (i32, i32) {
    %c0_i32 = arith.constant 0 : i32
    %c0_i32_0 = arith.constant 0 : i32
    return %arg0, %c0_i32 : i32, i32
  }
}

</mosaic_0001>

<sc_bundles>
// kernel: kernel.11.cloned.1.call-start
scs
__scs_entry_jumppad:
0x0: {  	(pc) =	sbr.rel $0x88, $3  }
0x1: {  	(tag) =	ssettag $0x0;
	lr =	simm.s32 $0x1  }
0x2: {  	[smem:$0x3F9F] =	sst lr;
	_ =	strace $0xD0000000  }
0x3: {  	_ = 	snop  }
0x4: {  	_ = 	snop  }
0x5: {  	_ = 	snop  }
0x6: {  	_ = 	snop  }
0x7: {  	_ = 	snop  }
__scs_overlays_trampoline_lowered:
0x8: {  	[smem:$0x3FAE] =	sst s0  }
0x9: {  	[smem:$0x3FAF] =	sst s1  }
0xa: {  	[smem:$0x3FB0] =	sst s2  }
0xb: {  	[smem:$0x3FB1] =	sst s3  }
0xc: {  	[smem:$0x3FB2] =	sst s4  }
0xd: {  	[smem:$0x3FB3] =	sst s5  }
0xe: {  	[smem:$0x3FB4] =	sst s6  }
0xf: {  	[smem:$0x3FB5] =	sst s7  }
0x10: {  	[smem:$0x3FB6] =	sst s8  }
0x11: {  	[smem:$0x3FB7] =	sst s9;
	s0 =	simm.s32 @!p0 $0x0  }
0x12: {  	s1 =	sld [smem:$0x3F9D];
	s0 =	simm.s32 @p0 $0x1  }
0x13: {  	[smem:$0x3FB8] =	sst s0;
	s0 =	simm.s32 @!p1 $0x0  }
0x14: {  	s2 =	sld [smem:$0x3F9C];
	s0 =	simm.s32 @p1 $0x1  }
0x15: {  	[smem:$0x3FB9] =	sst s0;
	s0 =	simm.s32 @!p2 $0x0  }
0x16: {  	s3 =	sld [smem:$0x3FDB];
	s0 =	simm.s32 @p2 $0x1  }
0x17: {  	s4 =	simm.s32 $0x1BF5;
	[smem:$0x3FBB] =	sst s0  }
0x18: {  	s0 =	sld [smem:$0x3F9E];
	_ =	swait.ge [sflag:s4], $0x0  }
0x19: {  	s7 =	sld [smem:$0x3F9F]  }
0x1a: {  	s8 =	sadd.s32 $0xFFFFE003, lr  }
0x1b: {  	s9 =	sadd.s32 $0xFFFFFEF7, lr;
	s5 =	simm.s32 $0xFFFFFFFF;
	p2 =	slt.u32 s8, $0xFFFFF086  }
0x1c: {  	p1 =	slt.u32 s9, $0xF7A;
	s5 =	simm.s32 @!p2 $0x0  }
0x1d: {  	s5 =	simm.s32 @p1 $0x1;
	p0 =	seq.s32 s7, s2  }
0x1e: {  	s7 =	smul.u32 @!p0 $0xF7A, s2;
	p2 =	seq.s32 @!p0 s5, $0x0  }
0x1f: {  	s9 =	smul.u32 $0xF7A, s1;
	s8 =	simm.s32 @!p0 $0x1BF5;
	p2 =	por !p2, p0  }
0x20: {  	[sflag:s8] =	ssyncset.s32 @!p0 $0xFFFFF086;
	s6 =	sadd.s32 @!p0 s3, s7;
	s7 =	simm.s32 @!p0 $0x108  }
0x21: {  	s3 =	sadd.s32 s3, s9;
	s6 =	sadd.s32 @!p0 $0x88, s6;
	s7 =	simm.s32 @p2 $0x1082  }
0x22: {  	[simem:s7], [sflag:s8] =	dma.local @!p0 [hbm:s6], $0xF7A  }
0x23: {  	s9 =	sor.u32 $0xD0000000, s2;
	s6 =	simm.s32 $0x108;
	_ =	swait.ge @!p0 [sflag:s8], $0x0  }
0x24: {  	s3 =	sadd.s32 $0x88, s3;
	s6 =	simm.s32 @!p1 $0x1082;
	[sflag:s4] =	ssyncset.s32 $0xFFFFF086  }
0x25: {  	[simem:s6], [sflag:s4] =	dma.local [hbm:s3], $0xF7A  }
0x26: {  	[smem:$0x3F9F] =	sst s1;
	(tag) =	ssettag s2;
	_ =	strace s9  }
0x27: {  	s1 =	sld [smem:$0x3FAF]  }
0x28: {  	s2 =	sld [smem:$0x3FB0]  }
0x29: {  	s4 =	sld [smem:$0x3FB2]  }
0x2a: {  	p0 =	seq.s32 s5, $0x0;
	s5 =	sld [smem:$0x3FB3]  }
0x2b: {  	s6 =	sld [smem:$0x3FB4]  }
0x2c: {  	s7 =	sld [smem:$0x3FB5]  }
0x2d: {  	s3 =	simm.s32 $0x108;
	s8 =	sld [smem:$0x3FB6]  }
0x2e: {  	s3 =	simm.s32 @!p0 $0x1082;
	s9 =	sld [smem:$0x3FB7]  }
0x2f: {  	lr =	sadd.s32 s0, s3;
	s0 =	sld [smem:$0x3FAE]  }
0x30: {  	s3 =	sld [smem:$0x3FB1]  }
0x31: {  	[smem:$0x3FBA] =	sst s10  }
0x32: {  	s10 =	sld [smem:$0x3FB8];
	_ =	sdelay $0x3  }
0x33: {  	p0 =	seq.s32 s10, $0x1;
	s10 =	sld [smem:$0x3FBA];
	_ =	sdelay $0x3  }
0x34: {  	[smem:$0x3FBA] =	sst s10  }
0x35: {  	s10 =	sld [smem:$0x3FB9];
	_ =	sdelay $0x3  }
0x36: {  	p1 =	seq.s32 s10, $0x1;
	s10 =	sld [smem:$0x3FBA];
	_ =	sdelay $0x3  }
0x37: {  	[smem:$0x3FBA] =	sst s10  }
0x38: {  	s10 =	sld [smem:$0x3FBB]  }
0x39: {  	_ = 	snop;
	(pc) =	sbr.ind lr, $3  }
0x3a: {  	_ = 	snop  }
0x3b: {  	_ = 	snop  }
0x3c: {  	p2 =	seq.s32 s10, $0x1;
	s10 =	sld [smem:$0x3FBA]  }
0x3d: {  	_ =	shalt  }
0x3e: {  	_ =	shalt  }
0x3f: {  	_ =	shalt  }
0x40: {  	_ =	shalt  }
0x41: {  	_ =	shalt  }
0x42: {  	_ =	shalt  }
0x43: {  	_ =	shalt  }
0x44: {  	_ =	shalt  }
0x45: {  	_ =	shalt  }
0x46: {  	_ =	shalt  }
0x47: {  	_ =	shalt  }
0x48: {  	_ =	shalt  }
0x49: {  	_ =	shalt  }
0x4a: {  	_ =	shalt  }
0x4b: {  	_ =	shalt  }
0x4c: {  	_ =	shalt  }
0x4d: {  	_ =	shalt  }
0x4e: {  	_ =	shalt  }
0x4f: {  	_ =	shalt  }
0x50: {  	_ =	shalt  }
0x51: {  	_ =	shalt  }
0x52: {  	_ =	shalt  }
0x53: {  	_ =	shalt  }
0x54: {  	_ =	shalt  }
0x55: {  	_ =	shalt  }
0x56: {  	_ =	shalt  }
0x57: {  	_ =	shalt  }
0x58: {  	_ =	shalt  }
0x59: {  	_ =	shalt  }
0x5a: {  	_ =	shalt  }
0x5b: {  	_ =	shalt  }
0x5c: {  	_ =	shalt  }
0x5d: {  	_ =	shalt  }
0x5e: {  	_ =	shalt  }
0x5f: {  	_ =	shalt  }
0x60: {  	_ =	shalt  }
0x61: {  	_ =	shalt  }
0x62: {  	_ =	shalt  }
0x63: {  	_ =	shalt  }
0x64: {  	_ =	shalt  }
0x65: {  	_ =	shalt  }
0x66: {  	_ =	shalt  }
0x67: {  	_ =	shalt  }
0x68: {  	_ =	shalt  }
0x69: {  	_ =	shalt  }
0x6a: {  	_ =	shalt  }
0x6b: {  	_ =	shalt  }
0x6c: {  	_ =	shalt  }
0x6d: {  	_ =	shalt  }
0x6e: {  	_ =	shalt  }
0x6f: {  	_ =	shalt  }
0x70: {  	_ =	shalt  }
0x71: {  	_ =	shalt  }
0x72: {  	_ =	shalt  }
0x73: {  	_ =	shalt  }
0x74: {  	_ =	shalt  }
0x75: {  	_ =	shalt  }
0x76: {  	_ =	shalt  }
0x77: {  	_ =	shalt  }
0x78: {  	_ =	shalt  }
0x79: {  	_ =	shalt  }
0x7a: {  	_ =	shalt  }
0x7b: {  	_ =	shalt  }
0x7c: {  	_ =	shalt  }
0x7d: {  	_ =	shalt  }
0x7e: {  	_ =	shalt  }
0x7f: {  	_ =	shalt  }
0x80: {  	_ =	shalt  }
0x81: {  	_ =	shalt  }
0x82: {  	_ =	shalt  }
0x83: {  	_ =	shalt  }
0x84: {  	_ =	shalt  }
0x85: {  	_ =	shalt  }
0x86: {  	_ =	shalt  }
0x87: {  	_ =	shalt  }
.Lfunc_end0:
.L_simem_size_0:
called_computation.1_lowered:
.L_overlay_start_0:
0x88: {  	s2 =	sld [smem:$0x3FD9]  }
0x89: {  	s3 =	sld [smem:$0x3FFE];
	_ =	sdelay $0x1  }
0x8a: {  	s1 =	srdreg.scid  }
0x8b: {  	s0 =	sand.u32 $0x1, s1  }
0x8c: {  	s17 =	sshll.u32 s0, $0xA;
	s2 =	sadd.s32 s3, s2  }
0x8d: {  	s2 =	sadd.s32 s2, s17  }
0x8e: {  	[smem:$0x3FC6] =	sst s2  }
0x8f: {  	_ = 	snop  }
0x90: {  	s2 =	sld [smem:$0x3FD0];
	(tm) =	ssettm $0x1  }
0x91: {  	s18 =	sld [smem:$0x3FFB];
	_ =	sdelay $0x3  }
0x92: {  	_ =	strace s18  }
0x93: {  	s3 =	sld [smem:$0x3FFC];
	_ =	sdelay $0x3  }
0x94: {  	_ =	strace s3  }
0x95: {  	s3 =	sld [smem:$0x3FFD];
	_ =	sdelay $0x3  }
0x96: {  	_ =	strace s3  }
0x97: {  	_ =	strace $0x8FFFFFFF  }
0x98: {  	s19 =	sld [smem:$0x3FDB];
	_ =	sdelay $0x1  }
0x99: {  	s4 =	simm.s32 $_scs_section_size  }
0x9a: {  	s5 =	simm.s32 $_size__tile_overlayer_lowered;
	s6 =	simm.s32 $_tile_overlayer_lowered  }
0x9b: {  	s22 =	simm.s32 $0x1BFF;
	s21 =	sshll.u32 s6, $0x1;
	s3 =	sadd.s32 s4, s19  }
0x9c: {  	s7 =	simm.s32 $0x0;
	s20 =	sshll.u32 s5, $0x1;
	s5 =	sadd.s32 s21, s3  }
0x9d: {  	[timem:s7], [sflag:s22] =	dma.local [hbm:s5], s20  }
0x9e: {  	_ =	swait.ge [sflag:s22], s20  }
0x9f: {  	s4 =	ssub.s32 $0x0, s20;
	[sflag:s22] =	ssyncset.done $0x0  }
0xa0: {  	[sflag:s22] =	ssyncadd.s32 s4;
	_ =	sdelay $0x1  }
0xa1: {  	s23 =	simm.s32 $0x1B8B  }
0xa2: {  	_ =	swait.ge [sflag:s23], $0x1  }
0xa3: {  	[sflag:s23] =	ssyncset.done $0x0  }
0xa4: {  	s25 =	simm.s32 $0x1B8E;
	s24 =	sld [smem:$0x3FFE];
	[sflag:s23] =	ssyncadd.s32 $0xFFFFFFFF  }
0xa5: {  	s26 =	simm.s32 $execute0_lowered;
	[smem:$0x3FD2] =	sst s25  }
0xa6: {  	s5 =	sshll.u32 s26, $0x1;
	_ =	strace $0x80000049;
	[dreg:$0x1] =	wrdreg $0xFFFFFFFF  }
0xa7: {  	s28 =	simm.s32 $_size_execute0_lowered;
	s3 =	sadd.s32 s3, s5;
	[dreg:$0x0] =	wrdreg $0x0  }
0xa8: {  	s5 =	sshll.u32 s28, $0x1;
	[dreg:$0x2] =	wrdreg s3  }
0xa9: {  	[dreg:$0x3] =	wrdreg s5  }
0xaa: {  	[dreg:$0x4] =	wrdreg $0xC0  }
0xab: {  	_ =	task [dreg:s7], $0x5FFFF  }
0xac: {  	[dreg:$0x1] =	wrdreg $0xFFFFFFFF  }
0xad: {  	[dreg:$0x0] =	wrdreg $0x60  }
0xae: {  	[dreg:$0x2] =	wrdreg s2  }
0xaf: {  	[dreg:$0x3] =	wrdreg s24  }
0xb0: {  	[dreg:$0x4] =	wrdreg $0xA9000  }
0xb1: {  	[dreg:$0x5] =	wrdreg $0x9  }
0xb2: {  	_ =	task.clear_ibuf [dreg:s7], $0x6FFFF;
	_ =	strace $0x90000049  }
0xb3: {  	s29 =	simm.s32 $0x9;
	_ =	strace $0x8000004B  }
0xb4: {  	_ =	swait.ge [sflag:s29], $0x1  }
0xb5: {  	[sflag:s29] =	ssyncadd.s32 $0xFFFFFFFF  }
0xb6: {  	_ =	strace $0x9000004B  }
0xb7: {  	_ =	sfence  }
0xb8: {  	s30 =	sld [smem:$0x0];
	_ =	sdelay $0x2  }
0xb9: {  	s31 =	sshll.u32 s1, $0xD;
	s1 =	sshrl.u32 s1, $0x2  }
0xba: {  	s3 =	sand.u32 $0x4000, s31;
	s1 =	sadd.s32 s1, s30  }
0xbb: {  	s0 =	sor.u32 s3, s0;
	s1 =	sshll.u32 s1, $0x11  }
0xbc: {  	s0 =	sor.u32 s1, s0  }
0xbd: {  	s0 =	sadd.s32 $0x8F2B, s0  }
0xbe: {  	[sflag:s0] =	ssyncadd.remote.s32 $0x1  }
0xbf: {  	_ =	sfence.sel $0xFFFF  }
0xc0: {  	[dreg:$0x0] =	wrdreg $0xFFFFFFFF;
	(pc) =	sbr.abs _section_cstart, $3  }
0xc1: {  	[dreg:$0x1] =	wrdreg $0xFFFFFFFF  }
0xc2: {  	_ =	task.clear_ibuf [dreg:s7], $0x2FFFF;
	_ =	strace $0x9FFFFFFF  }
0xc3: {  	(tm) =	ssettm $0x7FFFFFFF  }
tec
execute0_lowered:
.L_overlay_start_1:
0x0: {  	(tag) =	ssettag $0x1  }
0x1: {  	s1 =	rddreg [dreg:$0x0]  }
0x2: {  	s0 =	srdreg.scid;
	s2 =	rddreg [dreg:$0x1]  }
0x3: {  	s16 =	stileid.u32;
	s3 =	rddreg [dreg:$0x2]  }
0x4: {  	s18 =	simm.s32 $0x5;
	s19 =	simm.s32 $0x2800;
	s20 =	simm.s32 $0x2900  }
0x5: {  	s21 =	simm.s32 $0x2880;
	s22 =	simm.s32 $0x80;
	s8 =	smul.u32 $0x2800, s16  }
0x6: {  	s28 =	simm.s32 $0x2;
	s29 =	simm.s32 $0x4;
	s10 =	smul.u32 $0x50000, s16  }
0x7: {  	s31 =	simm.s32 $0x0;
	s0 =	sand.u32 $0x1, s0;
	s13 =	smul.u32 $0x14000, s16  }
0x8: {  	s11 =	sadd.s32 $0x3C600, s2;
	s30 =	smul.u32 $0x500, s16;
	p0 =	seq.s32 s16, $0xF  }
0x9: {  	s4 =	sshll.u32 s0, $0x4;
	s9 =	ssub.s32 $0x2, s0;
	s24 =	smul.u32 $0x138800, s0  }
0xa: {  	s0 =	smul.u32 $0x5000, s0;
	s5 =	sor.u32 s16, s4;
	s4 =	simm.s32 $0x0  }
0xb: {  	s8 =	sadd.s32 s8, s2;
	s12 =	sshrl.u32 s9, $0x1;
	s23 =	sshrl.u32 s10, $0x2  }
0xc: {  	s6 =	smul.u32 $0x500, s5;
	[smem:$0x7FF] =	sst s4;
	s5 =	sadd.s32 $0x1400, s2  }
0xd: {  	s12 =	ssub.s32 s9, s12;
	s8 =	sadd.s32 $0x15400, s8;
	s25 =	sadd.s32 s13, s24  }
0xe: {  	s26 =	sshrl.u32 s24, $0x3;
	s14 =	sadd.s32 s30, s0;
	s0 =	sshll.u32 @!p0 s16, $0x6  }
0xf: {  	s24 =	simm.s32 $0x1;
	_ =	strace $0x8000004A;
	[dreg:$0x5] =	wrdreg s8  }
0x10: {  	s8 =	sadd.s32 $0x12C000, s3;
	s12 =	smax.u32 s12, $0x1;
	s16 =	sor.u32 @!p0 $0x1C06, s0  }
0x11: {  	s7 =	sadd.s32 s6, s2;
	s2 =	sadd.s32 $0x3AC00, s2;
	s9 =	sadd.s32 s5, s6  }
0x12: {  	s6 =	sadd.s32 s11, s26;
	s15 =	sshrl.u32 @p0 s8, $0x3;
	s26 =	simm.s32 $0x6  }
0x13: {  	s7 =	sadd.s32 $0xB400, s7;
	[dreg:$0x6] =	wrdreg s2;
	s2 =	sshrl.u32 s25, $0x3  }
0x14: {  	s13 =	sadd.s32 $0x4F0, s9;
	s25 =	simm.s32 $0x3;
	[dreg:$0x4] =	wrdreg s7  }
0x15: {  	s7 =	sadd.s32 s23, s3;
	s2 =	sadd.s32 s11, s2;
	s11 =	sadd.s32 $0x25800, s6  }
0x16: {  	s23 =	simm.s32 $0x6900;
	[dreg:$0x7] =	wrdreg s2;
	s17 =	sshrl.u32 @!p0 s7, $0x3  }
.LBB2_1:
0x17: {  	s0 =	rddreg [dreg:$0x4]  }
0x18: {  	[tilespmem:s4], [sflag:$0x5] =	stream.linear.gather [hbm4b:s0+s4], $0x2800, $0x38;
	[tilespmem:$0x1E580] =	vst v63  }
0x19: {  	s2 =	rddreg [dreg:$0x6];
	s0 =	simm.s32 @p0 $0x1FC6  }
0x1a: {  	[spmem:s15], [sflag:s0] =	dma.local @p0 [hbm:s2], $0x1900  }
0x1b: {  	s0 =	simm.s32 @p0 $0x6  }
0x1c: {  	_ =	swait.ge @p0 [sflag:s0], $0x1900  }
0x1d: {  	[sflag:s0] =	ssyncset.done @p0 $0x0  }
0x1e: {  	[sflag:s0] =	ssyncadd.s32 @p0 $0xFFFFE700;
	s0 =	rddreg [dreg:$0x5]  }
0x1f: {  	[spmem:s17], [sflag:s16] =	dma.local @!p0 [hbm:s0], $0x2800  }
0x20: {  	s0 =	simm.s32 @!p0 $0x6  }
0x21: {  	_ =	swait.ge @!p0 [sflag:s0], $0x2800  }
0x22: {  	[sflag:s0] =	ssyncset.done @!p0 $0x0  }
0x23: {  	[sflag:s0] =	ssyncadd.s32 @!p0 $0xFFFFD800  }
0x24: {  	_ =	swait.ge [sflag:s18], $0x2800  }
0x25: {  	[sflag:s18] =	ssyncset.done $0x0  }
0x26: {  	s10 =	sadd.s32 $0x20, s14;
	s7 =	simm.s32 $0x10;
	[sflag:s18] =	ssyncadd.s32 $0xFFFFD800  }
0x27: {  	s6 =	sadd.s32 $0xFFFFFFE0, s10;
	s2 =	sand.u32 $0x70, s7;
	[bflag:$0x0] =	sbarrier.arrive $0xFFFF  }
0x28: {  	[tilespmem:s19], [sflag:$0x3] =	stream.linear.gather [hbm4b:s9+s4], $0x80, $0x38;
	[tilespmem:$0x1E580] =	vst v63  }
0x29: {  	s6 =	sand.u32 $0xFFFFF80, s6;
	s2 =	sadd.s32 s5, s2  }
0x2a: {  	[tilespmem:s20], [sflag:$0x1] =	stream.indirect.gather [hbm4b:s1+s22], $0x80, s4, s22, $0xb8;
	[tilespmem:$0x1E580] =	vst v63  }
0x2b: {  	s2 =	sadd.s32 s6, s2  }
0x2c: {  	[tilespmem:s21], [sflag:$0x4] =	stream.linear.gather [hbm4b:s2+s4], $0x80, $0x38;
	[tilespmem:$0x1E580] =	vst v63  }
0x2d: {  	_ = 	snop  }
0x2e: {  	[tilespmem:s23], [sflag:$0x2] =	stream.indirect.gather [hbm4b:s1+s22], $0x80, s22, s22, $0xb8;
	[tilespmem:$0x1E580] =	vst v63  }
0x2f: {  	_ =	swait.ge [sflag:s24], $0x4000  }
0x30: {  	[sflag:s24] =	ssyncset.done $0x0  }
0x31: {  	[sflag:s24] =	ssyncadd.s32 $0xFFFFC000  }
0x32: {  	_ =	swait.ge [sflag:s25], $0x80  }
0x33: {  	[sflag:s25] =	ssyncset.done $0x0  }
0x34: {  	s8 =	simm.s32 $0x20;
	[sflag:s25] =	ssyncadd.s32 $0xFFFFFF80  }
0x35: {  	[spmem:s3] =	stream.indirect.scatter.add.f32 [tilespmem:s20], [sflag:$0x6], $0x80, s19, s22, $0xb8;
	[tilespmem:$0x1E580] =	vst v63  }
0x36: {  	s2 =	sand.u32 $0x60, s8;
	_ =	swait.ge [sflag:s26], $0x4000  }
0x37: {  	s0 =	sand.u32 $0xFFFFF80, s10;
	s2 =	sadd.s32 s5, s2;
	[sflag:s26] =	ssyncset.done $0x0  }
0x38: {  	s0 =	sadd.s32 s0, s2;
	[sflag:s26] =	ssyncadd.s32 $0xFFFFC000  }
0x39: {  	[tilespmem:s19], [sflag:$0x3] =	stream.linear.gather [hbm4b:s0+s4], $0x80, $0x38;
	[tilespmem:$0x1E580] =	vst v63  }
0x3a: {  	s10 =	simm.s32 $0x100  }
0x3b: {  	[tilespmem:s20], [sflag:$0x1] =	stream.indirect.gather [hbm4b:s1+s22], $0x80, s10, s22, $0xb8;
	[tilespmem:$0x1E580] =	vst v63  }
0x3c: {  	_ =	swait.ge [sflag:s28], $0x4000  }
0x3d: {  	[sflag:s28] =	ssyncset.done $0x0  }
0x3e: {  	[sflag:s28] =	ssyncadd.s32 $0xFFFFC000  }
0x3f: {  	s30 =	simm.s32 $0x60;
	_ =	swait.ge [sflag:s29], $0x80  }
0x40: {  	s7 =	simm.s32 $0x30;
	s6 =	sadd.s32 $0x40, s14;
	[sflag:s29] =	ssyncset.done $0x0  }
0x41: {  	s8 =	sadd.s32 $0xFFFFFFE0, s6;
	s2 =	simm.s32 $0x180;
	[sflag:s29] =	ssyncadd.s32 $0xFFFFFF80  }
0x42: {  	[spmem:s3] =	stream.indirect.scatter.add.f32 [tilespmem:s23], [sflag:$0x6], $0x80, s21, s22, $0xb8;
	[tilespmem:$0x1E580] =	vst v63  }
0x43: {  	s0 =	simm.s32 $0x40;
	s10 =	sand.u32 $0x70, s7;
	_ =	swait.ge [sflag:s26], $0x4000  }
0x44: {  	s7 =	sand.u32 $0xFFFFF80, s8;
	s8 =	sadd.s32 s5, s10;
	[sflag:s26] =	ssyncset.done $0x0  }
.LBB2_2:
0x45: {  	s7 =	sadd.s32 s7, s8;
	s6 =	sand.u32 $0xFFFFF80, s6;
	[sflag:s26] =	ssyncadd.s32 $0xFFFFC000  }
0x46: {  	[tilespmem:s21], [sflag:$0x4] =	stream.linear.gather [hbm4b:s7+s4], $0x80, $0x38;
	[tilespmem:$0x1E580] =	vst v63  }
0x47: {  	p1 =	sne.s32 s30, $0x4E0;
	s7 =	smov.u32 s30;
	s30 =	sadd.s32 $0x20, s30  }
0x48: {  	[tilespmem:s23], [sflag:$0x2] =	stream.indirect.gather [hbm4b:s1+s22], $0x80, s2, s22, $0xb8;
	[tilespmem:$0x1E580] =	vst v63  }
0x49: {  	_ =	swait.ge [sflag:s24], $0x4000  }
0x4a: {  	[sflag:s24] =	ssyncset.done $0x0  }
0x4b: {  	[sflag:s24] =	ssyncadd.s32 $0xFFFFC000  }
0x4c: {  	_ =	swait.ge [sflag:s25], $0x80  }
0x4d: {  	[sflag:s25] =	ssyncset.done $0x0  }
0x4e: {  	[sflag:s25] =	ssyncadd.s32 $0xFFFFFF80  }
0x4f: {  	[spmem:s3] =	stream.indirect.scatter.add.f32 [tilespmem:s20], [sflag:$0x6], $0x80, s19, s22, $0xb8;
	[tilespmem:$0x1E580] =	vst v63  }
0x50: {  	s8 =	sand.u32 $0x60, s0;
	s0 =	smov.u32 s7;
	_ =	swait.ge [sflag:s26], $0x4000  }
0x51: {  	s7 =	sadd.s32 s5, s8;
	[sflag:s26] =	ssyncset.done $0x0  }
0x52: {  	s6 =	sadd.s32 s6, s7;
	[sflag:s26] =	ssyncadd.s32 $0xFFFFC000  }
0x53: {  	[tilespmem:s19], [sflag:$0x3] =	stream.linear.gather [hbm4b:s6+s4], $0x80, $0x38;
	[tilespmem:$0x1E580] =	vst v63  }
0x54: {  	s6 =	sadd.s32 $0x80, s2  }
0x55: {  	[tilespmem:s20], [sflag:$0x1] =	stream.indirect.gather [hbm4b:s1+s22], $0x80, s6, s22, $0xb8;
	[tilespmem:$0x1E580] =	vst v63  }
0x56: {  	_ =	swait.ge [sflag:s28], $0x4000  }
0x57: {  	[sflag:s28] =	ssyncset.done $0x0  }
0x58: {  	[sflag:s28] =	ssyncadd.s32 $0xFFFFC000  }
0x59: {  	_ =	swait.ge [sflag:s29], $0x80  }
.Ltmp0:
0x5a: {  	s2 =	sadd.s32 $0x100, s2;
	[sflag:s29] =	ssyncset.done $0x0;
	(pc) =	sbr.rel @p1 .LBB2_2-.Ltmp0, $4  }
0x5b: {  	s7 =	sadd.s32 $0xFFFFFFF0, s0;
	s6 =	sadd.s32 s0, s14;
	[sflag:s29] =	ssyncadd.s32 $0xFFFFFF80  }
0x5c: {  	[spmem:s3] =	stream.indirect.scatter.add.f32 [tilespmem:s23], [sflag:$0x6], $0x80, s21, s22, $0xb8;
	[tilespmem:$0x1E580] =	vst v63  }
0x5d: {  	s10 =	sand.u32 $0x70, s7;
	s8 =	sadd.s32 $0xFFFFFFE0, s6;
	_ =	swait.ge [sflag:s26], $0x4000  }
0x5e: {  	s7 =	sand.u32 $0xFFFFF80, s8;
	s8 =	sadd.s32 s5, s10;
	[sflag:s26] =	ssyncset.done $0x0  }
0x5f: {  	s7 =	sadd.s32 s7, s8;
	[sflag:s26] =	ssyncadd.s32 $0xFFFFC000  }
0x60: {  	[tilespmem:s21], [sflag:$0x4] =	stream.linear.gather [hbm4b:s7+s4], $0x80, $0x38;
	[tilespmem:$0x1E580] =	vst v63  }
0x61: {  	_ = 	snop  }
0x62: {  	[tilespmem:s23], [sflag:$0x2] =	stream.indirect.gather [hbm4b:s1+s22], $0x80, s2, s22, $0xb8;
	[tilespmem:$0x1E580] =	vst v63  }
0x63: {  	_ =	swait.ge [sflag:s24], $0x4000  }
0x64: {  	[sflag:s24] =	ssyncset.done $0x0  }
0x65: {  	[sflag:s24] =	ssyncadd.s32 $0xFFFFC000  }
0x66: {  	_ =	swait.ge [sflag:s25], $0x80  }
0x67: {  	[sflag:s25] =	ssyncset.done $0x0  }
0x68: {  	[sflag:s25] =	ssyncadd.s32 $0xFFFFFF80  }
0x69: {  	[spmem:s3] =	stream.indirect.scatter.add.f32 [tilespmem:s20], [sflag:$0x6], $0x80, s19, s22, $0xb8;
	[tilespmem:$0x1E580] =	vst v63  }
0x6a: {  	s0 =	sand.u32 $0x60, s0;
	_ =	swait.ge [sflag:s26], $0x4000  }
0x6b: {  	s6 =	sand.u32 $0xFFFFF80, s6;
	s0 =	sadd.s32 s5, s0;
	[sflag:s26] =	ssyncset.done $0x0  }
0x6c: {  	s0 =	sadd.s32 s6, s0;
	[sflag:s26] =	ssyncadd.s32 $0xFFFFC000  }
0x6d: {  	[tilespmem:s19], [sflag:$0x3] =	stream.linear.gather [hbm4b:s0+s4], $0x80, $0x38;
	[tilespmem:$0x1E580] =	vst v63  }
0x6e: {  	s10 =	sadd.s32 $0x80, s2  }
0x6f: {  	[tilespmem:s20], [sflag:$0x1] =	stream.indirect.gather [hbm4b:s1+s22], $0x80, s10, s22, $0xb8;
	[tilespmem:$0x1E580] =	vst v63  }
0x70: {  	_ =	swait.ge [sflag:s28], $0x4000  }
0x71: {  	[sflag:s28] =	ssyncset.done $0x0  }
0x72: {  	[sflag:s28] =	ssyncadd.s32 $0xFFFFC000  }
0x73: {  	_ =	swait.ge [sflag:s29], $0x80  }
0x74: {  	[sflag:s29] =	ssyncset.done $0x0  }
0x75: {  	[sflag:s29] =	ssyncadd.s32 $0xFFFFFF80  }
0x76: {  	[spmem:s3] =	stream.indirect.scatter.add.f32 [tilespmem:s23], [sflag:$0x6], $0x80, s21, s22, $0xb8;
	[tilespmem:$0x1E580] =	vst v63  }
0x77: {  	_ =	swait.ge [sflag:s26], $0x4000  }
0x78: {  	[sflag:s26] =	ssyncset.done $0x0  }
0x79: {  	[sflag:s26] =	ssyncadd.s32 $0xFFFFC000  }
0x7a: {  	[tilespmem:s21], [sflag:$0x4] =	stream.linear.gather [hbm4b:s13+s4], $0x80, $0x38;
	[tilespmem:$0x1E580] =	vst v63  }
0x7b: {  	s30 =	simm.s32 $0x2780  }
0x7c: {  	[tilespmem:s23], [sflag:$0x2] =	stream.indirect.gather [hbm4b:s1+s22], $0x80, s30, s22, $0xb8;
	[tilespmem:$0x1E580] =	vst v63  }
0x7d: {  	_ =	swait.ge [sflag:s24], $0x4000  }
0x7e: {  	[sflag:s24] =	ssyncset.done $0x0  }
0x7f: {  	[sflag:s24] =	ssyncadd.s32 $0xFFFFC000  }
0x80: {  	_ =	swait.ge [sflag:s25], $0x80  }
0x81: {  	[sflag:s25] =	ssyncset.done $0x0  }
0x82: {  	[sflag:s25] =	ssyncadd.s32 $0xFFFFFF80  }
0x83: {  	[spmem:s3] =	stream.indirect.scatter.add.f32 [tilespmem:s20], [sflag:$0x6], $0x80, s19, s22, $0xb8;
	[tilespmem:$0x1E580] =	vst v63  }
0x84: {  	_ =	swait.ge [sflag:s26], $0x4000  }
0x85: {  	[sflag:s26] =	ssyncset.done $0x0  }
0x86: {  	[sflag:s26] =	ssyncadd.s32 $0xFFFFC000  }
0x87: {  	_ =	swait.ge [sflag:s28], $0x4000  }
0x88: {  	[sflag:s28] =	ssyncset.done $0x0  }
0x89: {  	[sflag:s28] =	ssyncadd.s32 $0xFFFFC000  }
0x8a: {  	_ =	swait.ge [sflag:s29], $0x80  }
0x8b: {  	[sflag:s29] =	ssyncset.done $0x0  }
0x8c: {  	[sflag:s29] =	ssyncadd.s32 $0xFFFFFF80  }
0x8d: {  	[spmem:s3] =	stream.indirect.scatter.add.f32 [tilespmem:s23], [sflag:$0x6], $0x80, s21, s22, $0xb8;
	[tilespmem:$0x1E580] =	vst v63  }
0x8e: {  	_ =	swait.ge [sflag:s26], $0x4000  }
0x8f: {  	[sflag:s26] =	ssyncset.done $0x0  }
0x90: {  	[sflag:s26] =	ssyncadd.s32 $0xFFFFC000  }
0x91: {  	s0 =	simm.s32 @p0 $0x1FC6;
	[bflag:$0x0] =	sbarrier.arrive $0xFFFF  }
0x92: {  	[hbm:s11], [sflag:s0] =	dma.local @p0 [spmem:s15], $0x1900  }
0x93: {  	s0 =	simm.s32 @p0 $0x6  }
0x94: {  	_ =	swait.ge @p0 [sflag:s0], $0x1900  }
0x95: {  	s31 =	sadd.s32 $0x1, s31;
	[sflag:s0] =	ssyncset.done @p0 $0x0  }
0x96: {  	p1 =	sne.s32 s31, s12;
	[sflag:s0] =	ssyncadd.s32 @p0 $0xFFFFE700;
	s0 =	rddreg [dreg:$0x7]  }
0x97: {  	[hbm:s0], [sflag:s16] =	dma.local @!p0 [spmem:s17], $0x2800  }
.Ltmp1:
0x98: {  	_ = 	snop;
	(pc) =	sbr.rel @p1 .LBB2_1-.Ltmp1, $4  }
0x99: {  	s0 =	simm.s32 @!p0 $0x6  }
0x9a: {  	_ =	swait.ge @!p0 [sflag:s0], $0x2800  }
0x9b: {  	[sflag:s0] =	ssyncset.done @!p0 $0x0  }
0x9c: {  	[sflag:s0] =	ssyncadd.s32 @!p0 $0xFFFFD800  }
0x9d: {  	_ =	sfence.sel $0x180000  }
0x9e: {  	[bflag:$0x0] =	sbarrier.arrive $0xFFFF  }
0x9f: {  	_ =	strace $0x9000004A  }
0xa0: {  	s0 =	stileid.u32;
	[bflag:$0x2] =	sbarrier.arrive $0xFFFF  }
0xa1: {  	p0 =	sne.s32 s0, $0x0;
	s0 =	rddreg [dreg:$0x3]  }
0xa2: {  	s0 =	sadd.s32 @!p0 $0x100000, s0  }
0xa3: {  	[sflag:s0] =	ssyncadd.tile.s32 @!p0 $0x1;
	_ =	shalt  }
.Lfunc_end2:
_tile_overlayer_lowered:
.L_overlay_start_2:
0xa4: {  	(tag) =	ssettag $0x2  }
0xa5: {  	s0 =	rddreg [dreg:$0x0];
	s2 =	stileid.u32  }
0xa6: {  	s1 =	rddreg [dreg:$0x1];
	p0 =	sne.s32 s2, $0x0  }
0xa7: {  	s3 =	rddreg [dreg:$0x2];
	[bflag:$0x3] =	sbarrier.arrive $0xFFFF;
	s2 =	simm.s32 @!p0 $0x1C06  }
0xa8: {  	[timem:s3], [sflag:s2] =	dma.local @!p0 [hbm:s0], s1  }
0xa9: {  	s0 =	simm.s32 @!p0 $0x6  }
0xaa: {  	_ =	swait.ge @!p0 [sflag:s0], s1  }
0xab: {  	s1 =	ssub.s32 @!p0 $0x0, s1;
	[sflag:s0] =	ssyncset.done @!p0 $0x0  }
0xac: {  	[sflag:s0] =	ssyncadd.s32 @!p0 s1  }
0xad: {  	[bflag:$0x3] =	sbarrier.arrive $0xFFFF  }
0xae: {  	_ =	shalt  }

// kernel: kernel.14.cloned.1.call-start
scs
__scs_entry_jumppad:
0x0: {  	(pc) =	sbr.rel $0x88, $3  }
0x1: {  	(tag) =	ssettag $0x0;
	lr =	simm.s32 $0x1  }
0x2: {  	[smem:$0x3F9F] =	sst lr;
	_ =	strace $0xD0000000  }
0x3: {  	_ = 	snop  }
0x4: {  	_ = 	snop  }
0x5: {  	_ = 	snop  }
0x6: {  	_ = 	snop  }
0x7: {  	_ = 	snop  }
__scs_overlays_trampoline_lowered:
0x8: {  	[smem:$0x3FAE] =	sst s0  }
0x9: {  	[smem:$0x3FAF] =	sst s1  }
0xa: {  	[smem:$0x3FB0] =	sst s2  }
0xb: {  	[smem:$0x3FB1] =	sst s3  }
0xc: {  	[smem:$0x3FB2] =	sst s4  }
0xd: {  	[smem:$0x3FB3] =	sst s5  }
0xe: {  	[smem:$0x3FB4] =	sst s6  }
0xf: {  	[smem:$0x3FB5] =	sst s7  }
0x10: {  	[smem:$0x3FB6] =	sst s8  }
0x11: {  	[smem:$0x3FB7] =	sst s9;
	s0 =	simm.s32 @!p0 $0x0  }
0x12: {  	s1 =	sld [smem:$0x3F9D];
	s0 =	simm.s32 @p0 $0x1  }
0x13: {  	[smem:$0x3FB8] =	sst s0;
	s0 =	simm.s32 @!p1 $0x0  }
0x14: {  	s2 =	sld [smem:$0x3F9C];
	s0 =	simm.s32 @p1 $0x1  }
0x15: {  	[smem:$0x3FB9] =	sst s0;
	s0 =	simm.s32 @!p2 $0x0  }
0x16: {  	s3 =	sld [smem:$0x3FDB];
	s0 =	simm.s32 @p2 $0x1  }
0x17: {  	s4 =	simm.s32 $0x1BF5;
	[smem:$0x3FBB] =	sst s0  }
0x18: {  	s0 =	sld [smem:$0x3F9E];
	_ =	swait.ge [sflag:s4], $0x0  }
0x19: {  	s7 =	sld [smem:$0x3F9F]  }
0x1a: {  	s8 =	sadd.s32 $0xFFFFE003, lr  }
0x1b: {  	s9 =	sadd.s32 $0xFFFFFEF7, lr;
	s5 =	simm.s32 $0xFFFFFFFF;
	p2 =	slt.u32 s8, $0xFFFFF086  }
0x1c: {  	p1 =	slt.u32 s9, $0xF7A;
	s5 =	simm.s32 @!p2 $0x0  }
0x1d: {  	s5 =	simm.s32 @p1 $0x1;
	p0 =	seq.s32 s7, s2  }
0x1e: {  	s7 =	smul.u32 @!p0 $0xF7A, s2;
	p2 =	seq.s32 @!p0 s5, $0x0  }
0x1f: {  	s9 =	smul.u32 $0xF7A, s1;
	s8 =	simm.s32 @!p0 $0x1BF5;
	p2 =	por !p2, p0  }
0x20: {  	[sflag:s8] =	ssyncset.s32 @!p0 $0xFFFFF086;
	s6 =	sadd.s32 @!p0 s3, s7;
	s7 =	simm.s32 @!p0 $0x108  }
0x21: {  	s3 =	sadd.s32 s3, s9;
	s6 =	sadd.s32 @!p0 $0x88, s6;
	s7 =	simm.s32 @p2 $0x1082  }
0x22: {  	[simem:s7], [sflag:s8] =	dma.local @!p0 [hbm:s6], $0xF7A  }
0x23: {  	s9 =	sor.u32 $0xD0000000, s2;
	s6 =	simm.s32 $0x108;
	_ =	swait.ge @!p0 [sflag:s8], $0x0  }
0x24: {  	s3 =	sadd.s32 $0x88, s3;
	s6 =	simm.s32 @!p1 $0x1082;
	[sflag:s4] =	ssyncset.s32 $0xFFFFF086  }
0x25: {  	[simem:s6], [sflag:s4] =	dma.local [hbm:s3], $0xF7A  }
0x26: {  	[smem:$0x3F9F] =	sst s1;
	(tag) =	ssettag s2;
	_ =	strace s9  }
0x27: {  	s1 =	sld [smem:$0x3FAF]  }
0x28: {  	s2 =	sld [smem:$0x3FB0]  }
0x29: {  	s4 =	sld [smem:$0x3FB2]  }
0x2a: {  	p0 =	seq.s32 s5, $0x0;
	s5 =	sld [smem:$0x3FB3]  }
0x2b: {  	s6 =	sld [smem:$0x3FB4]  }
0x2c: {  	s7 =	sld [smem:$0x3FB5]  }
0x2d: {  	s3 =	simm.s32 $0x108;
	s8 =	sld [smem:$0x3FB6]  }
0x2e: {  	s3 =	simm.s32 @!p0 $0x1082;
	s9 =	sld [smem:$0x3FB7]  }
0x2f: {  	lr =	sadd.s32 s0, s3;
	s0 =	sld [smem:$0x3FAE]  }
0x30: {  	s3 =	sld [smem:$0x3FB1]  }
0x31: {  	[smem:$0x3FBA] =	sst s10  }
0x32: {  	s10 =	sld [smem:$0x3FB8];
	_ =	sdelay $0x3  }
0x33: {  	p0 =	seq.s32 s10, $0x1;
	s10 =	sld [smem:$0x3FBA];
	_ =	sdelay $0x3  }
0x34: {  	[smem:$0x3FBA] =	sst s10  }
0x35: {  	s10 =	sld [smem:$0x3FB9];
	_ =	sdelay $0x3  }
0x36: {  	p1 =	seq.s32 s10, $0x1;
	s10 =	sld [smem:$0x3FBA];
	_ =	sdelay $0x3  }
0x37: {  	[smem:$0x3FBA] =	sst s10  }
0x38: {  	s10 =	sld [smem:$0x3FBB]  }
0x39: {  	_ = 	snop;
	(pc) =	sbr.ind lr, $3  }
0x3a: {  	_ = 	snop  }
0x3b: {  	_ = 	snop  }
0x3c: {  	p2 =	seq.s32 s10, $0x1;
	s10 =	sld [smem:$0x3FBA]  }
0x3d: {  	_ =	shalt  }
0x3e: {  	_ =	shalt  }
0x3f: {  	_ =	shalt  }
0x40: {  	_ =	shalt  }
0x41: {  	_ =	shalt  }
0x42: {  	_ =	shalt  }
0x43: {  	_ =	shalt  }
0x44: {  	_ =	shalt  }
0x45: {  	_ =	shalt  }
0x46: {  	_ =	shalt  }
0x47: {  	_ =	shalt  }
0x48: {  	_ =	shalt  }
0x49: {  	_ =	shalt  }
0x4a: {  	_ =	shalt  }
0x4b: {  	_ =	shalt  }
0x4c: {  	_ =	shalt  }
0x4d: {  	_ =	shalt  }
0x4e: {  	_ =	shalt  }
0x4f: {  	_ =	shalt  }
0x50: {  	_ =	shalt  }
0x51: {  	_ =	shalt  }
0x52: {  	_ =	shalt  }
0x53: {  	_ =	shalt  }
0x54: {  	_ =	shalt  }
0x55: {  	_ =	shalt  }
0x56: {  	_ =	shalt  }
0x57: {  	_ =	shalt  }
0x58: {  	_ =	shalt  }
0x59: {  	_ =	shalt  }
0x5a: {  	_ =	shalt  }
0x5b: {  	_ =	shalt  }
0x5c: {  	_ =	shalt  }
0x5d: {  	_ =	shalt  }
0x5e: {  	_ =	shalt  }
0x5f: {  	_ =	shalt  }
0x60: {  	_ =	shalt  }
0x61: {  	_ =	shalt  }
0x62: {  	_ =	shalt  }
0x63: {  	_ =	shalt  }
0x64: {  	_ =	shalt  }
0x65: {  	_ =	shalt  }
0x66: {  	_ =	shalt  }
0x67: {  	_ =	shalt  }
0x68: {  	_ =	shalt  }
0x69: {  	_ =	shalt  }
0x6a: {  	_ =	shalt  }
0x6b: {  	_ =	shalt  }
0x6c: {  	_ =	shalt  }
0x6d: {  	_ =	shalt  }
0x6e: {  	_ =	shalt  }
0x6f: {  	_ =	shalt  }
0x70: {  	_ =	shalt  }
0x71: {  	_ =	shalt  }
0x72: {  	_ =	shalt  }
0x73: {  	_ =	shalt  }
0x74: {  	_ =	shalt  }
0x75: {  	_ =	shalt  }
0x76: {  	_ =	shalt  }
0x77: {  	_ =	shalt  }
0x78: {  	_ =	shalt  }
0x79: {  	_ =	shalt  }
0x7a: {  	_ =	shalt  }
0x7b: {  	_ =	shalt  }
0x7c: {  	_ =	shalt  }
0x7d: {  	_ =	shalt  }
0x7e: {  	_ =	shalt  }
0x7f: {  	_ =	shalt  }
0x80: {  	_ =	shalt  }
0x81: {  	_ =	shalt  }
0x82: {  	_ =	shalt  }
0x83: {  	_ =	shalt  }
0x84: {  	_ =	shalt  }
0x85: {  	_ =	shalt  }
0x86: {  	_ =	shalt  }
0x87: {  	_ =	shalt  }
.Lfunc_end0:
.L_simem_size_0:
called_computation.2_lowered:
.L_overlay_start_0:
0x88: {  	s2 =	sld [smem:$0x3FD9]  }
0x89: {  	s3 =	sld [smem:$0x3FFE];
	_ =	sdelay $0x1  }
0x8a: {  	s1 =	srdreg.scid  }
0x8b: {  	s0 =	sand.u32 $0x1, s1  }
0x8c: {  	s17 =	sshll.u32 s0, $0xA;
	s2 =	sadd.s32 s3, s2  }
0x8d: {  	s2 =	sadd.s32 s2, s17  }
0x8e: {  	[smem:$0x3FC6] =	sst s2  }
0x8f: {  	_ = 	snop  }
0x90: {  	s2 =	sld [smem:$0x3FD0];
	(tm) =	ssettm $0x1  }
0x91: {  	s18 =	sld [smem:$0x3FFB];
	_ =	sdelay $0x3  }
0x92: {  	_ =	strace s18  }
0x93: {  	s3 =	sld [smem:$0x3FFC];
	_ =	sdelay $0x3  }
0x94: {  	_ =	strace s3  }
0x95: {  	s3 =	sld [smem:$0x3FFD];
	_ =	sdelay $0x3  }
0x96: {  	_ =	strace s3  }
0x97: {  	_ =	strace $0x8FFFFFFF  }
0x98: {  	s19 =	sld [smem:$0x3FDB];
	_ =	sdelay $0x1  }
0x99: {  	s4 =	simm.s32 $_scs_section_size  }
0x9a: {  	s5 =	simm.s32 $_size__tile_overlayer_lowered;
	s6 =	simm.s32 $_tile_overlayer_lowered  }
0x9b: {  	s22 =	simm.s32 $0x1BFF;
	s21 =	sshll.u32 s6, $0x1;
	s3 =	sadd.s32 s4, s19  }
0x9c: {  	s7 =	simm.s32 $0x0;
	s20 =	sshll.u32 s5, $0x1;
	s5 =	sadd.s32 s21, s3  }
0x9d: {  	[timem:s7], [sflag:s22] =	dma.local [hbm:s5], s20  }
0x9e: {  	_ =	swait.ge [sflag:s22], s20  }
0x9f: {  	s4 =	ssub.s32 $0x0, s20;
	[sflag:s22] =	ssyncset.done $0x0  }
0xa0: {  	[sflag:s22] =	ssyncadd.s32 s4;
	_ =	sdelay $0x1  }
0xa1: {  	s23 =	simm.s32 $0x1B8B  }
0xa2: {  	_ =	swait.ge [sflag:s23], $0x1  }
0xa3: {  	[sflag:s23] =	ssyncset.done $0x0  }
0xa4: {  	s25 =	simm.s32 $0x1B8E;
	s24 =	sld [smem:$0x3FFE];
	[sflag:s23] =	ssyncadd.s32 $0xFFFFFFFF  }
0xa5: {  	s26 =	simm.s32 $execute0_lowered;
	[smem:$0x3FD2] =	sst s25  }
0xa6: {  	s5 =	sshll.u32 s26, $0x1;
	_ =	strace $0x8000004C;
	[dreg:$0x1] =	wrdreg $0xFFFFFFFF  }
0xa7: {  	s28 =	simm.s32 $_size_execute0_lowered;
	s3 =	sadd.s32 s3, s5;
	[dreg:$0x0] =	wrdreg $0x0  }
0xa8: {  	s5 =	sshll.u32 s28, $0x1;
	[dreg:$0x2] =	wrdreg s3  }
0xa9: {  	[dreg:$0x3] =	wrdreg s5  }
0xaa: {  	[dreg:$0x4] =	wrdreg $0xC0  }
0xab: {  	_ =	task [dreg:s7], $0x5FFFF  }
0xac: {  	[dreg:$0x1] =	wrdreg $0xFFFFFFFF  }
0xad: {  	[dreg:$0x0] =	wrdreg $0x60  }
0xae: {  	[dreg:$0x2] =	wrdreg s2  }
0xaf: {  	[dreg:$0x3] =	wrdreg s24  }
0xb0: {  	[dreg:$0x4] =	wrdreg $0xA9000  }
0xb1: {  	[dreg:$0x5] =	wrdreg $0x9  }
0xb2: {  	_ =	task.clear_ibuf [dreg:s7], $0x6FFFF;
	_ =	strace $0x9000004C  }
0xb3: {  	s29 =	simm.s32 $0x9;
	_ =	strace $0x8000004E  }
0xb4: {  	_ =	swait.ge [sflag:s29], $0x1  }
0xb5: {  	[sflag:s29] =	ssyncadd.s32 $0xFFFFFFFF  }
0xb6: {  	_ =	strace $0x9000004E  }
0xb7: {  	_ =	sfence  }
0xb8: {  	s30 =	sld [smem:$0x0];
	_ =	sdelay $0x2  }
0xb9: {  	s31 =	sshll.u32 s1, $0xD;
	s1 =	sshrl.u32 s1, $0x2  }
0xba: {  	s3 =	sand.u32 $0x4000, s31;
	s1 =	sadd.s32 s1, s30  }
0xbb: {  	s0 =	sor.u32 s3, s0;
	s1 =	sshll.u32 s1, $0x11  }
0xbc: {  	s0 =	sor.u32 s1, s0  }
0xbd: {  	s0 =	sadd.s32 $0x8F2B, s0  }
0xbe: {  	[sflag:s0] =	ssyncadd.remote.s32 $0x1  }
0xbf: {  	_ =	sfence.sel $0xFFFF  }
0xc0: {  	[dreg:$0x0] =	wrdreg $0xFFFFFFFF;
	(pc) =	sbr.abs _section_cstart, $3  }
0xc1: {  	[dreg:$0x1] =	wrdreg $0xFFFFFFFF  }
0xc2: {  	_ =	task.clear_ibuf [dreg:s7], $0x2FFFF;
	_ =	strace $0x9FFFFFFF  }
0xc3: {  	(tm) =	ssettm $0x7FFFFFFF  }
tec
execute0_lowered:
.L_overlay_start_1:
0x0: {  	(tag) =	ssettag $0x1  }
0x1: {  	s1 =	rddreg [dreg:$0x0]  }
0x2: {  	s0 =	srdreg.scid;
	s2 =	rddreg [dreg:$0x1]  }
0x3: {  	s16 =	stileid.u32;
	s3 =	rddreg [dreg:$0x2]  }
0x4: {  	s18 =	simm.s32 $0x5;
	s19 =	simm.s32 $0x2800;
	s20 =	simm.s32 $0x2900  }
0x5: {  	s21 =	simm.s32 $0x2880;
	s22 =	simm.s32 $0x80;
	s8 =	smul.u32 $0x2800, s16  }
0x6: {  	s28 =	simm.s32 $0x2;
	s29 =	simm.s32 $0x4;
	s10 =	smul.u32 $0x50000, s16  }
0x7: {  	s31 =	simm.s32 $0x0;
	s0 =	sand.u32 $0x1, s0;
	s13 =	smul.u32 $0x14000, s16  }
0x8: {  	s11 =	sadd.s32 $0x3C600, s2;
	s30 =	smul.u32 $0x500, s16;
	p0 =	seq.s32 s16, $0xF  }
0x9: {  	s4 =	sshll.u32 s0, $0x4;
	s9 =	ssub.s32 $0x2, s0;
	s24 =	smul.u32 $0x138800, s0  }
0xa: {  	s0 =	smul.u32 $0x5000, s0;
	s5 =	sor.u32 s16, s4;
	s4 =	simm.s32 $0x0  }
0xb: {  	s8 =	sadd.s32 s8, s2;
	s12 =	sshrl.u32 s9, $0x1;
	s23 =	sshrl.u32 s10, $0x2  }
0xc: {  	s6 =	smul.u32 $0x500, s5;
	[smem:$0x7FF] =	sst s4;
	s5 =	sadd.s32 $0x1400, s2  }
0xd: {  	s12 =	ssub.s32 s9, s12;
	s8 =	sadd.s32 $0x15400, s8;
	s25 =	sadd.s32 s13, s24  }
0xe: {  	s26 =	sshrl.u32 s24, $0x3;
	s14 =	sadd.s32 s30, s0;
	s0 =	sshll.u32 @!p0 s16, $0x6  }
0xf: {  	s24 =	simm.s32 $0x1;
	_ =	strace $0x8000004D;
	[dreg:$0x5] =	wrdreg s8  }
0x10: {  	s8 =	sadd.s32 $0x12C000, s3;
	s12 =	smax.u32 s12, $0x1;
	s16 =	sor.u32 @!p0 $0x1C06, s0  }
0x11: {  	s7 =	sadd.s32 s6, s2;
	s2 =	sadd.s32 $0x3AC00, s2;
	s9 =	sadd.s32 s5, s6  }
0x12: {  	s6 =	sadd.s32 s11, s26;
	s15 =	sshrl.u32 @p0 s8, $0x3;
	s26 =	simm.s32 $0x6  }
0x13: {  	s7 =	sadd.s32 $0xB400, s7;
	[dreg:$0x6] =	wrdreg s2;
	s2 =	sshrl.u32 s25, $0x3  }
0x14: {  	s13 =	sadd.s32 $0x4F0, s9;
	s25 =	simm.s32 $0x3;
	[dreg:$0x4] =	wrdreg s7  }
0x15: {  	s7 =	sadd.s32 s23, s3;
	s2 =	sadd.s32 s11, s2;
	s11 =	sadd.s32 $0x25800, s6  }
0x16: {  	s23 =	simm.s32 $0x6900;
	[dreg:$0x7] =	wrdreg s2;
	s17 =	sshrl.u32 @!p0 s7, $0x3  }
.LBB2_1:
0x17: {  	s0 =	rddreg [dreg:$0x4]  }
0x18: {  	[tilespmem:s4], [sflag:$0x5] =	stream.linear.gather [hbm4b:s0+s4], $0x2800, $0x38;
	[tilespmem:$0x1E580] =	vst v63  }
0x19: {  	s2 =	rddreg [dreg:$0x6];
	s0 =	simm.s32 @p0 $0x1FC6  }
0x1a: {  	[spmem:s15], [sflag:s0] =	dma.local @p0 [hbm:s2], $0x1900  }
0x1b: {  	s0 =	simm.s32 @p0 $0x6  }
0x1c: {  	_ =	swait.ge @p0 [sflag:s0], $0x1900  }
0x1d: {  	[sflag:s0] =	ssyncset.done @p0 $0x0  }
0x1e: {  	[sflag:s0] =	ssyncadd.s32 @p0 $0xFFFFE700;
	s0 =	rddreg [dreg:$0x5]  }
0x1f: {  	[spmem:s17], [sflag:s16] =	dma.local @!p0 [hbm:s0], $0x2800  }
0x20: {  	s0 =	simm.s32 @!p0 $0x6  }
0x21: {  	_ =	swait.ge @!p0 [sflag:s0], $0x2800  }
0x22: {  	[sflag:s0] =	ssyncset.done @!p0 $0x0  }
0x23: {  	[sflag:s0] =	ssyncadd.s32 @!p0 $0xFFFFD800  }
0x24: {  	_ =	swait.ge [sflag:s18], $0x2800  }
0x25: {  	[sflag:s18] =	ssyncset.done $0x0  }
0x26: {  	s10 =	sadd.s32 $0x20, s14;
	s7 =	simm.s32 $0x10;
	[sflag:s18] =	ssyncadd.s32 $0xFFFFD800  }
0x27: {  	s6 =	sadd.s32 $0xFFFFFFE0, s10;
	s2 =	sand.u32 $0x70, s7;
	[bflag:$0x0] =	sbarrier.arrive $0xFFFF  }
0x28: {  	[tilespmem:s19], [sflag:$0x3] =	stream.linear.gather [hbm4b:s9+s4], $0x80, $0x38;
	[tilespmem:$0x1E580] =	vst v63  }
0x29: {  	s6 =	sand.u32 $0xFFFFF80, s6;
	s2 =	sadd.s32 s5, s2  }
0x2a: {  	[tilespmem:s20], [sflag:$0x1] =	stream.indirect.gather [hbm4b:s1+s22], $0x80, s4, s22, $0xb8;
	[tilespmem:$0x1E580] =	vst v63  }
0x2b: {  	s2 =	sadd.s32 s6, s2  }
0x2c: {  	[tilespmem:s21], [sflag:$0x4] =	stream.linear.gather [hbm4b:s2+s4], $0x80, $0x38;
	[tilespmem:$0x1E580] =	vst v63  }
0x2d: {  	_ = 	snop  }
0x2e: {  	[tilespmem:s23], [sflag:$0x2] =	stream.indirect.gather [hbm4b:s1+s22], $0x80, s22, s22, $0xb8;
	[tilespmem:$0x1E580] =	vst v63  }
0x2f: {  	_ =	swait.ge [sflag:s24], $0x4000  }
0x30: {  	[sflag:s24] =	ssyncset.done $0x0  }
0x31: {  	[sflag:s24] =	ssyncadd.s32 $0xFFFFC000  }
0x32: {  	_ =	swait.ge [sflag:s25], $0x80  }
0x33: {  	[sflag:s25] =	ssyncset.done $0x0  }
0x34: {  	s8 =	simm.s32 $0x20;
	[sflag:s25] =	ssyncadd.s32 $0xFFFFFF80  }
0x35: {  	[spmem:s3] =	stream.indirect.scatter.add.f32 [tilespmem:s20], [sflag:$0x6], $0x80, s19, s22, $0xb8;
	[tilespmem:$0x1E580] =	vst v63  }
0x36: {  	s2 =	sand.u32 $0x60, s8;
	_ =	swait.ge [sflag:s26], $0x4000  }
0x37: {  	s0 =	sand.u32 $0xFFFFF80, s10;
	s2 =	sadd.s32 s5, s2;
	[sflag:s26] =	ssyncset.done $0x0  }
0x38: {  	s0 =	sadd.s32 s0, s2;
	[sflag:s26] =	ssyncadd.s32 $0xFFFFC000  }
0x39: {  	[tilespmem:s19], [sflag:$0x3] =	stream.linear.gather [hbm4b:s0+s4], $0x80, $0x38;
	[tilespmem:$0x1E580] =	vst v63  }
0x3a: {  	s10 =	simm.s32 $0x100  }
0x3b: {  	[tilespmem:s20], [sflag:$0x1] =	stream.indirect.gather [hbm4b:s1+s22], $0x80, s10, s22, $0xb8;
	[tilespmem:$0x1E580] =	vst v63  }
0x3c: {  	_ =	swait.ge [sflag:s28], $0x4000  }
0x3d: {  	[sflag:s28] =	ssyncset.done $0x0  }
0x3e: {  	[sflag:s28] =	ssyncadd.s32 $0xFFFFC000  }
0x3f: {  	s30 =	simm.s32 $0x60;
	_ =	swait.ge [sflag:s29], $0x80  }
0x40: {  	s7 =	simm.s32 $0x30;
	s6 =	sadd.s32 $0x40, s14;
	[sflag:s29] =	ssyncset.done $0x0  }
0x41: {  	s8 =	sadd.s32 $0xFFFFFFE0, s6;
	s2 =	simm.s32 $0x180;
	[sflag:s29] =	ssyncadd.s32 $0xFFFFFF80  }
0x42: {  	[spmem:s3] =	stream.indirect.scatter.add.f32 [tilespmem:s23], [sflag:$0x6], $0x80, s21, s22, $0xb8;
	[tilespmem:$0x1E580] =	vst v63  }
0x43: {  	s0 =	simm.s32 $0x40;
	s10 =	sand.u32 $0x70, s7;
	_ =	swait.ge [sflag:s26], $0x4000  }
0x44: {  	s7 =	sand.u32 $0xFFFFF80, s8;
	s8 =	sadd.s32 s5, s10;
	[sflag:s26] =	ssyncset.done $0x0  }
.LBB2_2:
0x45: {  	s7 =	sadd.s32 s7, s8;
	s6 =	sand.u32 $0xFFFFF80, s6;
	[sflag:s26] =	ssyncadd.s32 $0xFFFFC000  }
0x46: {  	[tilespmem:s21], [sflag:$0x4] =	stream.linear.gather [hbm4b:s7+s4], $0x80, $0x38;
	[tilespmem:$0x1E580] =	vst v63  }
0x47: {  	p1 =	sne.s32 s30, $0x4E0;
	s7 =	smov.u32 s30;
	s30 =	sadd.s32 $0x20, s30  }
0x48: {  	[tilespmem:s23], [sflag:$0x2] =	stream.indirect.gather [hbm4b:s1+s22], $0x80, s2, s22, $0xb8;
	[tilespmem:$0x1E580] =	vst v63  }
0x49: {  	_ =	swait.ge [sflag:s24], $0x4000  }
0x4a: {  	[sflag:s24] =	ssyncset.done $0x0  }
0x4b: {  	[sflag:s24] =	ssyncadd.s32 $0xFFFFC000  }
0x4c: {  	_ =	swait.ge [sflag:s25], $0x80  }
0x4d: {  	[sflag:s25] =	ssyncset.done $0x0  }
0x4e: {  	[sflag:s25] =	ssyncadd.s32 $0xFFFFFF80  }
0x4f: {  	[spmem:s3] =	stream.indirect.scatter.add.f32 [tilespmem:s20], [sflag:$0x6], $0x80, s19, s22, $0xb8;
	[tilespmem:$0x1E580] =	vst v63  }
0x50: {  	s8 =	sand.u32 $0x60, s0;
	s0 =	smov.u32 s7;
	_ =	swait.ge [sflag:s26], $0x4000  }
0x51: {  	s7 =	sadd.s32 s5, s8;
	[sflag:s26] =	ssyncset.done $0x0  }
0x52: {  	s6 =	sadd.s32 s6, s7;
	[sflag:s26] =	ssyncadd.s32 $0xFFFFC000  }
0x53: {  	[tilespmem:s19], [sflag:$0x3] =	stream.linear.gather [hbm4b:s6+s4], $0x80, $0x38;
	[tilespmem:$0x1E580] =	vst v63  }
0x54: {  	s6 =	sadd.s32 $0x80, s2  }
0x55: {  	[tilespmem:s20], [sflag:$0x1] =	stream.indirect.gather [hbm4b:s1+s22], $0x80, s6, s22, $0xb8;
	[tilespmem:$0x1E580] =	vst v63  }
0x56: {  	_ =	swait.ge [sflag:s28], $0x4000  }
0x57: {  	[sflag:s28] =	ssyncset.done $0x0  }
0x58: {  	[sflag:s28] =	ssyncadd.s32 $0xFFFFC000  }
0x59: {  	_ =	swait.ge [sflag:s29], $0x80  }
.Ltmp0:
0x5a: {  	s2 =	sadd.s32 $0x100, s2;
	[sflag:s29] =	ssyncset.done $0x0;
	(pc) =	sbr.rel @p1 .LBB2_2-.Ltmp0, $4  }
0x5b: {  	s7 =	sadd.s32 $0xFFFFFFF0, s0;
	s6 =	sadd.s32 s0, s14;
	[sflag:s29] =	ssyncadd.s32 $0xFFFFFF80  }
0x5c: {  	[spmem:s3] =	stream.indirect.scatter.add.f32 [tilespmem:s23], [sflag:$0x6], $0x80, s21, s22, $0xb8;
	[tilespmem:$0x1E580] =	vst v63  }
0x5d: {  	s10 =	sand.u32 $0x70, s7;
	s8 =	sadd.s32 $0xFFFFFFE0, s6;
	_ =	swait.ge [sflag:s26], $0x4000  }
0x5e: {  	s7 =	sand.u32 $0xFFFFF80, s8;
	s8 =	sadd.s32 s5, s10;
	[sflag:s26] =	ssyncset.done $0x0  }
0x5f: {  	s7 =	sadd.s32 s7, s8;
	[sflag:s26] =	ssyncadd.s32 $0xFFFFC000  }
0x60: {  	[tilespmem:s21], [sflag:$0x4] =	stream.linear.gather [hbm4b:s7+s4], $0x80, $0x38;
	[tilespmem:$0x1E580] =	vst v63  }
0x61: {  	_ = 	snop  }
0x62: {  	[tilespmem:s23], [sflag:$0x2] =	stream.indirect.gather [hbm4b:s1+s22], $0x80, s2, s22, $0xb8;
	[tilespmem:$0x1E580] =	vst v63  }
0x63: {  	_ =	swait.ge [sflag:s24], $0x4000  }
0x64: {  	[sflag:s24] =	ssyncset.done $0x0  }
0x65: {  	[sflag:s24] =	ssyncadd.s32 $0xFFFFC000  }
0x66: {  	_ =	swait.ge [sflag:s25], $0x80  }
0x67: {  	[sflag:s25] =	ssyncset.done $0x0  }
0x68: {  	[sflag:s25] =	ssyncadd.s32 $0xFFFFFF80  }
0x69: {  	[spmem:s3] =	stream.indirect.scatter.add.f32 [tilespmem:s20], [sflag:$0x6], $0x80, s19, s22, $0xb8;
	[tilespmem:$0x1E580] =	vst v63  }
0x6a: {  	s0 =	sand.u32 $0x60, s0;
	_ =	swait.ge [sflag:s26], $0x4000  }
0x6b: {  	s6 =	sand.u32 $0xFFFFF80, s6;
	s0 =	sadd.s32 s5, s0;
	[sflag:s26] =	ssyncset.done $0x0  }
0x6c: {  	s0 =	sadd.s32 s6, s0;
	[sflag:s26] =	ssyncadd.s32 $0xFFFFC000  }
0x6d: {  	[tilespmem:s19], [sflag:$0x3] =	stream.linear.gather [hbm4b:s0+s4], $0x80, $0x38;
	[tilespmem:$0x1E580] =	vst v63  }
0x6e: {  	s10 =	sadd.s32 $0x80, s2  }
0x6f: {  	[tilespmem:s20], [sflag:$0x1] =	stream.indirect.gather [hbm4b:s1+s22], $0x80, s10, s22, $0xb8;
	[tilespmem:$0x1E580] =	vst v63  }
0x70: {  	_ =	swait.ge [sflag:s28], $0x4000  }
0x71: {  	[sflag:s28] =	ssyncset.done $0x0  }
0x72: {  	[sflag:s28] =	ssyncadd.s32 $0xFFFFC000  }
0x73: {  	_ =	swait.ge [sflag:s29], $0x80  }
0x74: {  	[sflag:s29] =	ssyncset.done $0x0  }
0x75: {  	[sflag:s29] =	ssyncadd.s32 $0xFFFFFF80  }
0x76: {  	[spmem:s3] =	stream.indirect.scatter.add.f32 [tilespmem:s23], [sflag:$0x6], $0x80, s21, s22, $0xb8;
	[tilespmem:$0x1E580] =	vst v63  }
0x77: {  	_ =	swait.ge [sflag:s26], $0x4000  }
0x78: {  	[sflag:s26] =	ssyncset.done $0x0  }
0x79: {  	[sflag:s26] =	ssyncadd.s32 $0xFFFFC000  }
0x7a: {  	[tilespmem:s21], [sflag:$0x4] =	stream.linear.gather [hbm4b:s13+s4], $0x80, $0x38;
	[tilespmem:$0x1E580] =	vst v63  }
0x7b: {  	s30 =	simm.s32 $0x2780  }
0x7c: {  	[tilespmem:s23], [sflag:$0x2] =	stream.indirect.gather [hbm4b:s1+s22], $0x80, s30, s22, $0xb8;
	[tilespmem:$0x1E580] =	vst v63  }
0x7d: {  	_ =	swait.ge [sflag:s24], $0x4000  }
0x7e: {  	[sflag:s24] =	ssyncset.done $0x0  }
0x7f: {  	[sflag:s24] =	ssyncadd.s32 $0xFFFFC000  }
0x80: {  	_ =	swait.ge [sflag:s25], $0x80  }
0x81: {  	[sflag:s25] =	ssyncset.done $0x0  }
0x82: {  	[sflag:s25] =	ssyncadd.s32 $0xFFFFFF80  }
0x83: {  	[spmem:s3] =	stream.indirect.scatter.add.f32 [tilespmem:s20], [sflag:$0x6], $0x80, s19, s22, $0xb8;
	[tilespmem:$0x1E580] =	vst v63  }
0x84: {  	_ =	swait.ge [sflag:s26], $0x4000  }
0x85: {  	[sflag:s26] =	ssyncset.done $0x0  }
0x86: {  	[sflag:s26] =	ssyncadd.s32 $0xFFFFC000  }
0x87: {  	_ =	swait.ge [sflag:s28], $0x4000  }
0x88: {  	[sflag:s28] =	ssyncset.done $0x0  }
0x89: {  	[sflag:s28] =	ssyncadd.s32 $0xFFFFC000  }
0x8a: {  	_ =	swait.ge [sflag:s29], $0x80  }
0x8b: {  	[sflag:s29] =	ssyncset.done $0x0  }
0x8c: {  	[sflag:s29] =	ssyncadd.s32 $0xFFFFFF80  }
0x8d: {  	[spmem:s3] =	stream.indirect.scatter.add.f32 [tilespmem:s23], [sflag:$0x6], $0x80, s21, s22, $0xb8;
	[tilespmem:$0x1E580] =	vst v63  }
0x8e: {  	_ =	swait.ge [sflag:s26], $0x4000  }
0x8f: {  	[sflag:s26] =	ssyncset.done $0x0  }
0x90: {  	[sflag:s26] =	ssyncadd.s32 $0xFFFFC000  }
0x91: {  	s0 =	simm.s32 @p0 $0x1FC6;
	[bflag:$0x0] =	sbarrier.arrive $0xFFFF  }
0x92: {  	[hbm:s11], [sflag:s0] =	dma.local @p0 [spmem:s15], $0x1900  }
0x93: {  	s0 =	simm.s32 @p0 $0x6  }
0x94: {  	_ =	swait.ge @p0 [sflag:s0], $0x1900  }
0x95: {  	s31 =	sadd.s32 $0x1, s31;
	[sflag:s0] =	ssyncset.done @p0 $0x0  }
0x96: {  	p1 =	sne.s32 s31, s12;
	[sflag:s0] =	ssyncadd.s32 @p0 $0xFFFFE700;
	s0 =	rddreg [dreg:$0x7]  }
0x97: {  	[hbm:s0], [sflag:s16] =	dma.local @!p0 [spmem:s17], $0x2800  }
.Ltmp1:
0x98: {  	_ = 	snop;
	(pc) =	sbr.rel @p1 .LBB2_1-.Ltmp1, $4  }
0x99: {  	s0 =	simm.s32 @!p0 $0x6  }
0x9a: {  	_ =	swait.ge @!p0 [sflag:s0], $0x2800  }
0x9b: {  	[sflag:s0] =	ssyncset.done @!p0 $0x0  }
0x9c: {  	[sflag:s0] =	ssyncadd.s32 @!p0 $0xFFFFD800  }
0x9d: {  	_ =	sfence.sel $0x180000  }
0x9e: {  	[bflag:$0x0] =	sbarrier.arrive $0xFFFF  }
0x9f: {  	_ =	strace $0x9000004D  }
0xa0: {  	s0 =	stileid.u32;
	[bflag:$0x2] =	sbarrier.arrive $0xFFFF  }
0xa1: {  	p0 =	sne.s32 s0, $0x0;
	s0 =	rddreg [dreg:$0x3]  }
0xa2: {  	s0 =	sadd.s32 @!p0 $0x100000, s0  }
0xa3: {  	[sflag:s0] =	ssyncadd.tile.s32 @!p0 $0x1;
	_ =	shalt  }
.Lfunc_end2:
_tile_overlayer_lowered:
.L_overlay_start_2:
0xa4: {  	(tag) =	ssettag $0x2  }
0xa5: {  	s0 =	rddreg [dreg:$0x0];
	s2 =	stileid.u32  }
0xa6: {  	s1 =	rddreg [dreg:$0x1];
	p0 =	sne.s32 s2, $0x0  }
0xa7: {  	s3 =	rddreg [dreg:$0x2];
	[bflag:$0x3] =	sbarrier.arrive $0xFFFF;
	s2 =	simm.s32 @!p0 $0x1C06  }
0xa8: {  	[timem:s3], [sflag:s2] =	dma.local @!p0 [hbm:s0], s1  }
0xa9: {  	s0 =	simm.s32 @!p0 $0x6  }
0xaa: {  	_ =	swait.ge @!p0 [sflag:s0], s1  }
0xab: {  	s1 =	ssub.s32 @!p0 $0x0, s1;
	[sflag:s0] =	ssyncset.done @!p0 $0x0  }
0xac: {  	[sflag:s0] =	ssyncadd.s32 @!p0 s1  }
0xad: {  	[bflag:$0x3] =	sbarrier.arrive $0xFFFF  }
0xae: {  	_ =	shalt  }

// kernel: kernel.8.cloned.1.call-start
scs
__scs_entry_jumppad:
0x0: {  	(pc) =	sbr.rel $0x88, $3  }
0x1: {  	(tag) =	ssettag $0x0;
	lr =	simm.s32 $0x1  }
0x2: {  	[smem:$0x3F9F] =	sst lr;
	_ =	strace $0xD0000000  }
0x3: {  	_ = 	snop  }
0x4: {  	_ = 	snop  }
0x5: {  	_ = 	snop  }
0x6: {  	_ = 	snop  }
0x7: {  	_ = 	snop  }
__scs_overlays_trampoline_lowered:
0x8: {  	[smem:$0x3FAE] =	sst s0  }
0x9: {  	[smem:$0x3FAF] =	sst s1  }
0xa: {  	[smem:$0x3FB0] =	sst s2  }
0xb: {  	[smem:$0x3FB1] =	sst s3  }
0xc: {  	[smem:$0x3FB2] =	sst s4  }
0xd: {  	[smem:$0x3FB3] =	sst s5  }
0xe: {  	[smem:$0x3FB4] =	sst s6  }
0xf: {  	[smem:$0x3FB5] =	sst s7  }
0x10: {  	[smem:$0x3FB6] =	sst s8  }
0x11: {  	[smem:$0x3FB7] =	sst s9;
	s0 =	simm.s32 @!p0 $0x0  }
0x12: {  	s1 =	sld [smem:$0x3F9D];
	s0 =	simm.s32 @p0 $0x1  }
0x13: {  	[smem:$0x3FB8] =	sst s0;
	s0 =	simm.s32 @!p1 $0x0  }
0x14: {  	s2 =	sld [smem:$0x3F9C];
	s0 =	simm.s32 @p1 $0x1  }
0x15: {  	[smem:$0x3FB9] =	sst s0;
	s0 =	simm.s32 @!p2 $0x0  }
0x16: {  	s3 =	sld [smem:$0x3FDB];
	s0 =	simm.s32 @p2 $0x1  }
0x17: {  	s4 =	simm.s32 $0x1BF5;
	[smem:$0x3FBB] =	sst s0  }
0x18: {  	s0 =	sld [smem:$0x3F9E];
	_ =	swait.ge [sflag:s4], $0x0  }
0x19: {  	s7 =	sld [smem:$0x3F9F]  }
0x1a: {  	s8 =	sadd.s32 $0xFFFFE003, lr  }
0x1b: {  	s9 =	sadd.s32 $0xFFFFFEF7, lr;
	s5 =	simm.s32 $0xFFFFFFFF;
	p2 =	slt.u32 s8, $0xFFFFF086  }
0x1c: {  	p1 =	slt.u32 s9, $0xF7A;
	s5 =	simm.s32 @!p2 $0x0  }
0x1d: {  	s5 =	simm.s32 @p1 $0x1;
	p0 =	seq.s32 s7, s2  }
0x1e: {  	s7 =	smul.u32 @!p0 $0xF7A, s2;
	p2 =	seq.s32 @!p0 s5, $0x0  }
0x1f: {  	s9 =	smul.u32 $0xF7A, s1;
	s8 =	simm.s32 @!p0 $0x1BF5;
	p2 =	por !p2, p0  }
0x20: {  	[sflag:s8] =	ssyncset.s32 @!p0 $0xFFFFF086;
	s6 =	sadd.s32 @!p0 s3, s7;
	s7 =	simm.s32 @!p0 $0x108  }
0x21: {  	s3 =	sadd.s32 s3, s9;
	s6 =	sadd.s32 @!p0 $0x88, s6;
	s7 =	simm.s32 @p2 $0x1082  }
0x22: {  	[simem:s7], [sflag:s8] =	dma.local @!p0 [hbm:s6], $0xF7A  }
0x23: {  	s9 =	sor.u32 $0xD0000000, s2;
	s6 =	simm.s32 $0x108;
	_ =	swait.ge @!p0 [sflag:s8], $0x0  }
0x24: {  	s3 =	sadd.s32 $0x88, s3;
	s6 =	simm.s32 @!p1 $0x1082;
	[sflag:s4] =	ssyncset.s32 $0xFFFFF086  }
0x25: {  	[simem:s6], [sflag:s4] =	dma.local [hbm:s3], $0xF7A  }
0x26: {  	[smem:$0x3F9F] =	sst s1;
	(tag) =	ssettag s2;
	_ =	strace s9  }
0x27: {  	s1 =	sld [smem:$0x3FAF]  }
0x28: {  	s2 =	sld [smem:$0x3FB0]  }
0x29: {  	s4 =	sld [smem:$0x3FB2]  }
0x2a: {  	p0 =	seq.s32 s5, $0x0;
	s5 =	sld [smem:$0x3FB3]  }
0x2b: {  	s6 =	sld [smem:$0x3FB4]  }
0x2c: {  	s7 =	sld [smem:$0x3FB5]  }
0x2d: {  	s3 =	simm.s32 $0x108;
	s8 =	sld [smem:$0x3FB6]  }
0x2e: {  	s3 =	simm.s32 @!p0 $0x1082;
	s9 =	sld [smem:$0x3FB7]  }
0x2f: {  	lr =	sadd.s32 s0, s3;
	s0 =	sld [smem:$0x3FAE]  }
0x30: {  	s3 =	sld [smem:$0x3FB1]  }
0x31: {  	[smem:$0x3FBA] =	sst s10  }
0x32: {  	s10 =	sld [smem:$0x3FB8];
	_ =	sdelay $0x3  }
0x33: {  	p0 =	seq.s32 s10, $0x1;
	s10 =	sld [smem:$0x3FBA];
	_ =	sdelay $0x3  }
0x34: {  	[smem:$0x3FBA] =	sst s10  }
0x35: {  	s10 =	sld [smem:$0x3FB9];
	_ =	sdelay $0x3  }
0x36: {  	p1 =	seq.s32 s10, $0x1;
	s10 =	sld [smem:$0x3FBA];
	_ =	sdelay $0x3  }
0x37: {  	[smem:$0x3FBA] =	sst s10  }
0x38: {  	s10 =	sld [smem:$0x3FBB]  }
0x39: {  	_ = 	snop;
	(pc) =	sbr.ind lr, $3  }
0x3a: {  	_ = 	snop  }
0x3b: {  	_ = 	snop  }
0x3c: {  	p2 =	seq.s32 s10, $0x1;
	s10 =	sld [smem:$0x3FBA]  }
0x3d: {  	_ =	shalt  }
0x3e: {  	_ =	shalt  }
0x3f: {  	_ =	shalt  }
0x40: {  	_ =	shalt  }
0x41: {  	_ =	shalt  }
0x42: {  	_ =	shalt  }
0x43: {  	_ =	shalt  }
0x44: {  	_ =	shalt  }
0x45: {  	_ =	shalt  }
0x46: {  	_ =	shalt  }
0x47: {  	_ =	shalt  }
0x48: {  	_ =	shalt  }
0x49: {  	_ =	shalt  }
0x4a: {  	_ =	shalt  }
0x4b: {  	_ =	shalt  }
0x4c: {  	_ =	shalt  }
0x4d: {  	_ =	shalt  }
0x4e: {  	_ =	shalt  }
0x4f: {  	_ =	shalt  }
0x50: {  	_ =	shalt  }
0x51: {  	_ =	shalt  }
0x52: {  	_ =	shalt  }
0x53: {  	_ =	shalt  }
0x54: {  	_ =	shalt  }
0x55: {  	_ =	shalt  }
0x56: {  	_ =	shalt  }
0x57: {  	_ =	shalt  }
0x58: {  	_ =	shalt  }
0x59: {  	_ =	shalt  }
0x5a: {  	_ =	shalt  }
0x5b: {  	_ =	shalt  }
0x5c: {  	_ =	shalt  }
0x5d: {  	_ =	shalt  }
0x5e: {  	_ =	shalt  }
0x5f: {  	_ =	shalt  }
0x60: {  	_ =	shalt  }
0x61: {  	_ =	shalt  }
0x62: {  	_ =	shalt  }
0x63: {  	_ =	shalt  }
0x64: {  	_ =	shalt  }
0x65: {  	_ =	shalt  }
0x66: {  	_ =	shalt  }
0x67: {  	_ =	shalt  }
0x68: {  	_ =	shalt  }
0x69: {  	_ =	shalt  }
0x6a: {  	_ =	shalt  }
0x6b: {  	_ =	shalt  }
0x6c: {  	_ =	shalt  }
0x6d: {  	_ =	shalt  }
0x6e: {  	_ =	shalt  }
0x6f: {  	_ =	shalt  }
0x70: {  	_ =	shalt  }
0x71: {  	_ =	shalt  }
0x72: {  	_ =	shalt  }
0x73: {  	_ =	shalt  }
0x74: {  	_ =	shalt  }
0x75: {  	_ =	shalt  }
0x76: {  	_ =	shalt  }
0x77: {  	_ =	shalt  }
0x78: {  	_ =	shalt  }
0x79: {  	_ =	shalt  }
0x7a: {  	_ =	shalt  }
0x7b: {  	_ =	shalt  }
0x7c: {  	_ =	shalt  }
0x7d: {  	_ =	shalt  }
0x7e: {  	_ =	shalt  }
0x7f: {  	_ =	shalt  }
0x80: {  	_ =	shalt  }
0x81: {  	_ =	shalt  }
0x82: {  	_ =	shalt  }
0x83: {  	_ =	shalt  }
0x84: {  	_ =	shalt  }
0x85: {  	_ =	shalt  }
0x86: {  	_ =	shalt  }
0x87: {  	_ =	shalt  }
.Lfunc_end0:
.L_simem_size_0:
called_computation_lowered:
.L_overlay_start_0:
0x88: {  	s2 =	sld [smem:$0x3FD9]  }
0x89: {  	s3 =	sld [smem:$0x3FFE];
	_ =	sdelay $0x1  }
0x8a: {  	s1 =	srdreg.scid  }
0x8b: {  	s0 =	sand.u32 $0x1, s1  }
0x8c: {  	s17 =	sshll.u32 s0, $0xA;
	s2 =	sadd.s32 s3, s2  }
0x8d: {  	s2 =	sadd.s32 s2, s17  }
0x8e: {  	[smem:$0x3FC6] =	sst s2  }
0x8f: {  	_ = 	snop  }
0x90: {  	s2 =	sld [smem:$0x3FD0];
	(tm) =	ssettm $0x1  }
0x91: {  	s18 =	sld [smem:$0x3FFB];
	_ =	sdelay $0x3  }
0x92: {  	_ =	strace s18  }
0x93: {  	s3 =	sld [smem:$0x3FFC];
	_ =	sdelay $0x3  }
0x94: {  	_ =	strace s3  }
0x95: {  	s3 =	sld [smem:$0x3FFD];
	_ =	sdelay $0x3  }
0x96: {  	_ =	strace s3  }
0x97: {  	_ =	strace $0x8FFFFFFF  }
0x98: {  	s19 =	sld [smem:$0x3FDB];
	_ =	sdelay $0x1  }
0x99: {  	s4 =	simm.s32 $_scs_section_size  }
0x9a: {  	s5 =	simm.s32 $_size__tile_overlayer_lowered;
	s6 =	simm.s32 $_tile_overlayer_lowered  }
0x9b: {  	s22 =	simm.s32 $0x1BFF;
	s21 =	sshll.u32 s6, $0x1;
	s3 =	sadd.s32 s4, s19  }
0x9c: {  	s7 =	simm.s32 $0x0;
	s20 =	sshll.u32 s5, $0x1;
	s5 =	sadd.s32 s21, s3  }
0x9d: {  	[timem:s7], [sflag:s22] =	dma.local [hbm:s5], s20  }
0x9e: {  	_ =	swait.ge [sflag:s22], s20  }
0x9f: {  	s4 =	ssub.s32 $0x0, s20;
	[sflag:s22] =	ssyncset.done $0x0  }
0xa0: {  	[sflag:s22] =	ssyncadd.s32 s4;
	_ =	sdelay $0x1  }
0xa1: {  	s23 =	simm.s32 $0x1B8B  }
0xa2: {  	_ =	swait.ge [sflag:s23], $0x1  }
0xa3: {  	[sflag:s23] =	ssyncset.done $0x0  }
0xa4: {  	s25 =	simm.s32 $0x1B8E;
	s24 =	sld [smem:$0x3FFE];
	[sflag:s23] =	ssyncadd.s32 $0xFFFFFFFF  }
0xa5: {  	s26 =	simm.s32 $execute0_lowered;
	[smem:$0x3FD2] =	sst s25  }
0xa6: {  	s5 =	sshll.u32 s26, $0x1;
	_ =	strace $0x80000046;
	[dreg:$0x1] =	wrdreg $0xFFFFFFFF  }
0xa7: {  	s28 =	simm.s32 $_size_execute0_lowered;
	s3 =	sadd.s32 s3, s5;
	[dreg:$0x0] =	wrdreg $0x0  }
0xa8: {  	s5 =	sshll.u32 s28, $0x1;
	[dreg:$0x2] =	wrdreg s3  }
0xa9: {  	[dreg:$0x3] =	wrdreg s5  }
0xaa: {  	[dreg:$0x4] =	wrdreg $0xC0  }
0xab: {  	_ =	task [dreg:s7], $0x5FFFF  }
0xac: {  	[dreg:$0x1] =	wrdreg $0xFFFFFFFF  }
0xad: {  	[dreg:$0x0] =	wrdreg $0x60  }
0xae: {  	[dreg:$0x2] =	wrdreg s24  }
0xaf: {  	[dreg:$0x3] =	wrdreg s2  }
0xb0: {  	[dreg:$0x4] =	wrdreg $0x2B000  }
0xb1: {  	[dreg:$0x5] =	wrdreg $0x9  }
0xb2: {  	_ =	task.clear_ibuf [dreg:s7], $0x6FFFF;
	_ =	strace $0x90000046  }
0xb3: {  	s29 =	simm.s32 $0x9;
	_ =	strace $0x80000048  }
0xb4: {  	_ =	swait.ge [sflag:s29], $0x1  }
0xb5: {  	[sflag:s29] =	ssyncadd.s32 $0xFFFFFFFF  }
0xb6: {  	_ =	strace $0x90000048  }
0xb7: {  	_ =	sfence  }
0xb8: {  	s30 =	sld [smem:$0x0];
	_ =	sdelay $0x2  }
0xb9: {  	s31 =	sshll.u32 s1, $0xD;
	s1 =	sshrl.u32 s1, $0x2  }
0xba: {  	s3 =	sand.u32 $0x4000, s31;
	s1 =	sadd.s32 s1, s30  }
0xbb: {  	s0 =	sor.u32 s3, s0;
	s1 =	sshll.u32 s1, $0x11  }
0xbc: {  	s0 =	sor.u32 s1, s0  }
0xbd: {  	s0 =	sadd.s32 $0x8F2B, s0  }
0xbe: {  	[sflag:s0] =	ssyncadd.remote.s32 $0x1  }
0xbf: {  	_ =	sfence.sel $0xFFFF  }
0xc0: {  	[dreg:$0x0] =	wrdreg $0xFFFFFFFF;
	(pc) =	sbr.abs _section_cstart, $3  }
0xc1: {  	[dreg:$0x1] =	wrdreg $0xFFFFFFFF  }
0xc2: {  	_ =	task.clear_ibuf [dreg:s7], $0x2FFFF;
	_ =	strace $0x9FFFFFFF  }
0xc3: {  	(tm) =	ssettm $0x7FFFFFFF  }
tec
execute0_lowered:
.L_overlay_start_1:
0x0: {  	(tag) =	ssettag $0x1  }
0x1: {  	s4 =	rddreg [dreg:$0x0]  }
0x2: {  	s0 =	srdreg.scid;
	s8 =	rddreg [dreg:$0x1]  }
0x3: {  	s2 =	rddreg [dreg:$0x2];
	s1 =	stileid.u32  }
0x4: {  	s3 =	simm.s32 $0x0;
	s13 =	simm.s32 $0x2800;
	s14 =	simm.s32 $0x2  }
0x5: {  	s5 =	sand.u32 $0x1, s0;
	s0 =	rddreg [dreg:$0x3];
	s7 =	smul.u32 $0xA00, s1  }
0x6: {  	s15 =	simm.s32 $0x0;
	[smem:$0x7FF] =	sst s3;
	s9 =	smul.u32 $0x280, s1  }
0x7: {  	p0 =	seq.s32 s1, $0xF;
	s6 =	sshll.u32 s5, $0x4;
	_ =	strace $0x80000047  }
0x8: {  	s30 =	ssub.s32 $0x2, s5;
	s11 =	smul.u32 $0x2710, s5;
	s6 =	sor.u32 s1, s6  }
0x9: {  	s10 =	sshrl.u32 s30, $0x1;
	s7 =	sshrl.u32 s7, $0x2;
	s6 =	smul.u32 $0x500, s6  }
0xa: {  	s10 =	ssub.s32 s30, s10;
	s5 =	sadd.s32 s7, s2;
	s12 =	sadd.s32 s9, s11  }
0xb: {  	s11 =	sshrl.u32 s11, $0x3;
	s7 =	sadd.s32 s9, s2;
	s31 =	sshrl.u32 s12, $0x3  }
0xc: {  	s11 =	sadd.s32 s8, s11;
	s10 =	smax.u32 s10, $0x1;
	s12 =	simm.s32 $0x80  }
0xd: {  	s4 =	sadd.s32 s6, s4;
	s6 =	sadd.s32 $0x2580, s2;
	s8 =	sadd.s32 s8, s31  }
0xe: {  	v0 =	vimm.f32 $1.000000000e+00;
	v1 =	vimm.f32 $0.0e+00;
	s9 =	sadd.s32 $0x4B0, s11;
	s11 =	simm.s32 $0x1;
	s4 =	sadd.s32 $0x1400, s4  }
.LBB2_1:
0xf: {  	[tilespmem:s3], [sflag:$0x1] =	stream.linear.gather [hbm4b:s4+s3], $0x2800, $0x38;
	[tilespmem:$0x2D80] =	vst v63  }
0x10: {  	[tilespmem:$0x2800] =	vst v0  }
0x11: {  	[tilespmem:$0x2810] =	vst v0  }
0x12: {  	[tilespmem:$0x2820] =	vst v0  }
0x13: {  	[tilespmem:$0x2830] =	vst v0  }
0x14: {  	[tilespmem:$0x2840] =	vst v0  }
0x15: {  	[tilespmem:$0x2850] =	vst v0  }
0x16: {  	[tilespmem:$0x2860] =	vst v0  }
0x17: {  	[tilespmem:$0x2870] =	vst v0  }
0x18: {  	[tilespmem:$0x2880] =	vst v1  }
0x19: {  	[tilespmem:$0x2890] =	vst v1  }
0x1a: {  	[tilespmem:$0x28A0] =	vst v1  }
0x1b: {  	[tilespmem:$0x28B0] =	vst v1  }
0x1c: {  	[tilespmem:$0x28C0] =	vst v1  }
0x1d: {  	[tilespmem:$0x28D0] =	vst v1  }
0x1e: {  	[tilespmem:$0x28E0] =	vst v1  }
0x1f: {  	[tilespmem:$0x28F0] =	vst v1  }
0x20: {  	[tilespmem:$0x2900] =	vst v1  }
0x21: {  	[tilespmem:$0x2910] =	vst v1  }
0x22: {  	[tilespmem:$0x2920] =	vst v1  }
0x23: {  	[tilespmem:$0x2930] =	vst v1  }
0x24: {  	[tilespmem:$0x2940] =	vst v1  }
0x25: {  	[tilespmem:$0x2950] =	vst v1  }
0x26: {  	[tilespmem:$0x2960] =	vst v1  }
0x27: {  	[tilespmem:$0x2970] =	vst v1  }
0x28: {  	[tilespmem:$0x2980] =	vst v1  }
0x29: {  	[tilespmem:$0x2990] =	vst v1  }
0x2a: {  	[tilespmem:$0x29A0] =	vst v1  }
0x2b: {  	[tilespmem:$0x29B0] =	vst v1  }
0x2c: {  	[tilespmem:$0x29C0] =	vst v1  }
0x2d: {  	[tilespmem:$0x29D0] =	vst v1  }
0x2e: {  	[tilespmem:$0x29E0] =	vst v1  }
0x2f: {  	[tilespmem:$0x29F0] =	vst v1  }
0x30: {  	[tilespmem:$0x2A00] =	vst v1  }
0x31: {  	[tilespmem:$0x2A10] =	vst v1  }
0x32: {  	[tilespmem:$0x2A20] =	vst v1  }
0x33: {  	[tilespmem:$0x2A30] =	vst v1  }
0x34: {  	[tilespmem:$0x2A40] =	vst v1  }
0x35: {  	[tilespmem:$0x2A50] =	vst v1  }
0x36: {  	[tilespmem:$0x2A60] =	vst v1  }
0x37: {  	[tilespmem:$0x2A70] =	vst v1  }
0x38: {  	[tilespmem:$0x2A80] =	vst v1  }
0x39: {  	[tilespmem:$0x2A90] =	vst v1  }
0x3a: {  	[tilespmem:$0x2AA0] =	vst v1  }
0x3b: {  	[tilespmem:$0x2AB0] =	vst v1  }
0x3c: {  	[tilespmem:$0x2AC0] =	vst v1  }
0x3d: {  	[tilespmem:$0x2AD0] =	vst v1  }
0x3e: {  	[tilespmem:$0x2AE0] =	vst v1  }
0x3f: {  	s16 =	simm.s32 @p0 $0x2880;
	[tilespmem:$0x2AF0] =	vst v1  }
0x40: {  	[spmem:s6] =	stream.linear.scatter @p0 [tilespmem:s16], [sflag:$0x2], $0x210, $0x38;
	[tilespmem:$0x2D80] =	vst v63  }
0x41: {  	s16 =	simm.s32 @p0 $0x2  }
0x42: {  	_ =	swait.ge @p0 [sflag:s16], $0x210  }
0x43: {  	[sflag:s16] =	ssyncset.done @p0 $0x0  }
0x44: {  	[sflag:s16] =	ssyncadd.s32 @p0 $0xFFFFFDF0;
	s16 =	simm.s32 @!p0 $0x2880  }
0x45: {  	[spmem:s5] =	stream.linear.scatter @!p0 [tilespmem:s16], [sflag:$0x2], $0x280, $0x38;
	[tilespmem:$0x2D80] =	vst v63  }
0x46: {  	s16 =	simm.s32 @!p0 $0x2  }
0x47: {  	_ =	swait.ge @!p0 [sflag:s16], $0x280  }
0x48: {  	[sflag:s16] =	ssyncset.done @!p0 $0x0  }
0x49: {  	[sflag:s16] =	ssyncadd.s32 @!p0 $0xFFFFFD80  }
0x4a: {  	_ =	swait.ge [sflag:s11], $0x2800  }
0x4b: {  	[sflag:s11] =	ssyncset.done $0x0  }
0x4c: {  	[sflag:s11] =	ssyncadd.s32 $0xFFFFD800  }
0x4d: {  	s31 =	simm.s32 $0x0;
	[bflag:$0x0] =	sbarrier.arrive $0xFFFF  }
0x4e: {  	[spmem:s2] =	stream.indirect.scatter.add.f32 [tilespmem:s13], [sflag:$0x2], $0x1, s31, s12, $0xb8;
	[tilespmem:$0x2D80] =	vst v63  }
0x4f: {  	_ =	swait.ge [sflag:s14], $0x80  }
0x50: {  	s16 =	simm.s32 $0x200;
	[sflag:s14] =	ssyncset.done $0x0  }
.LBB2_2:
0x51: {  	s17 =	sshra.s32 s16, $0x2;
	[sflag:s14] =	ssyncadd.s32 $0xFFFFFF80;
	p1 =	sne.s32 s16, $0x9E00  }
0x52: {  	[spmem:s2] =	stream.indirect.scatter.add.f32 [tilespmem:s13], [sflag:$0x2], $0x1, s17, s12, $0xb8;
	[tilespmem:$0x2D80] =	vst v63  }
.Ltmp0:
0x53: {  	_ = 	snop;
	(pc) =	sbr.rel @p1 .LBB2_2-.Ltmp0, $4  }
0x54: {  	_ = 	snop  }
0x55: {  	s16 =	sadd.s32 $0x200, s16  }
0x56: {  	_ =	swait.ge [sflag:s14], $0x80  }
0x57: {  	[sflag:s14] =	ssyncset.done $0x0  }
0x58: {  	[sflag:s14] =	ssyncadd.s32 $0xFFFFFF80  }
0x59: {  	s16 =	simm.s32 @p0 $0x2880;
	s17 =	simm.s32 @p0 $0x2;
	[bflag:$0x0] =	sbarrier.arrive $0xFFFF  }
0x5a: {  	[tilespmem:s16], [sflag:$0x2] =	stream.linear.gather @p0 [spmem:s6], $0x190, $0x38;
	[tilespmem:$0x2D80] =	vst v63  }
0x5b: {  	_ =	swait.ge @p0 [sflag:s17], $0x190  }
0x5c: {  	[sflag:s17] =	ssyncset.done @p0 $0x0  }
0x5d: {  	s18 =	simm.s32 @p0 $0x0;
	[sflag:s17] =	ssyncadd.s32 @p0 $0xFFFFFE70  }
0x5e: {  	[hbm4b:s9+s18] =	stream.linear.scatter @p0 [tilespmem:s16], [sflag:$0x2], $0x190, $0x38;
	[tilespmem:$0x2D80] =	vst v63  }
0x5f: {  	_ =	swait.ge @p0 [sflag:s17], $0x190  }
0x60: {  	[sflag:s17] =	ssyncset.done @p0 $0x0  }
0x61: {  	s16 =	simm.s32 @!p0 $0x2880;
	[sflag:s17] =	ssyncadd.s32 @p0 $0xFFFFFE70;
	s17 =	simm.s32 @!p0 $0x2  }
0x62: {  	[tilespmem:s16], [sflag:$0x2] =	stream.linear.gather @!p0 [spmem:s7], $0x280, $0x38;
	[tilespmem:$0x2D80] =	vst v63  }
0x63: {  	s15 =	sadd.s32 $0x1, s15;
	_ =	swait.ge @!p0 [sflag:s17], $0x280  }
0x64: {  	p1 =	sne.s32 s15, s10;
	[sflag:s17] =	ssyncset.done @!p0 $0x0  }
.Ltmp1:
0x65: {  	s18 =	simm.s32 @!p0 $0x0;
	[sflag:s17] =	ssyncadd.s32 @!p0 $0xFFFFFD80;
	(pc) =	sbr.rel @p1 .LBB2_1-.Ltmp1, $4  }
0x66: {  	[hbm4b:s8+s18] =	stream.linear.scatter @!p0 [tilespmem:s16], [sflag:$0x2], $0x280, $0x38;
	[tilespmem:$0x2D80] =	vst v63  }
0x67: {  	_ =	swait.ge @!p0 [sflag:s17], $0x280  }
0x68: {  	[sflag:s17] =	ssyncset.done @!p0 $0x0  }
0x69: {  	[sflag:s17] =	ssyncadd.s32 @!p0 $0xFFFFFD80  }
0x6a: {  	_ =	sfence.sel $0x180000  }
0x6b: {  	[bflag:$0x0] =	sbarrier.arrive $0xFFFF  }
0x6c: {  	p0 =	sne.s32 s1, $0x0;
	_ =	strace $0x90000047  }
0x6d: {  	s0 =	sadd.s32 @!p0 $0x100000, s0;
	[bflag:$0x2] =	sbarrier.arrive $0xFFFF  }
0x6e: {  	[sflag:s0] =	ssyncadd.tile.s32 @!p0 $0x1;
	_ =	shalt  }
.Lfunc_end2:
_tile_overlayer_lowered:
.L_overlay_start_2:
0x6f: {  	(tag) =	ssettag $0x2  }
0x70: {  	s0 =	rddreg [dreg:$0x0];
	s2 =	stileid.u32  }
0x71: {  	s1 =	rddreg [dreg:$0x1];
	p0 =	sne.s32 s2, $0x0  }
0x72: {  	s3 =	rddreg [dreg:$0x2];
	[bflag:$0x3] =	sbarrier.arrive $0xFFFF;
	s2 =	simm.s32 @!p0 $0x1C02  }
0x73: {  	[timem:s3], [sflag:s2] =	dma.local @!p0 [hbm:s0], s1  }
0x74: {  	s0 =	simm.s32 @!p0 $0x2  }
0x75: {  	_ =	swait.ge @!p0 [sflag:s0], s1  }
0x76: {  	s1 =	ssub.s32 @!p0 $0x0, s1;
	[sflag:s0] =	ssyncset.done @!p0 $0x0  }
0x77: {  	[sflag:s0] =	ssyncadd.s32 @!p0 s1  }
0x78: {  	[bflag:$0x3] =	sbarrier.arrive $0xFFFF  }
0x79: {  	_ =	shalt  }

</sc_bundles>
